<compile_context>
chip_gen: v7x
topology: tpu7x:2x2x1
jax: 0.10.2.dev20260603
libtpu: 0.0.44.dev20260713+nightly
codegen_flags: <defaults>
</compile_context>

<pallas_src>
import functools

import jax
import jax.numpy as jnp
from jax import lax
from jax.experimental import pallas as pl
from jax.experimental.pallas import tpu as pltpu
from jax.experimental.pallas import tpu_sc as plsc

E = 8
K = 2
D = 1024
DF = 2048
N = 2048
NP = N * K
TM = 128
NT = NP // TM + E
NS = NT * TM
NW = 32
CH = 32
TEXP_PAD = 64


def _gelu_exact(h):
    return 0.5 * h * (1.0 + jax.lax.erf(h * 0.7071067811865476))



def _gate_route_kernel(x_ref, wg_ref, bg_ref, eb_ref,
                       pos_ref, w_ref, texp_ref, o_s, r_s):
    x = x_ref[...]
    logits = (jnp.dot(x, wg_ref[...], preferred_element_type=jnp.float32)
              + bg_ref[...] + eb_ref[...])
    iota = lax.broadcasted_iota(jnp.int32, (N, E), 1)
    m0 = jnp.max(logits, axis=-1, keepdims=True)
    i0 = jnp.min(jnp.where(logits == m0, iota, E), axis=-1, keepdims=True)
    masked = jnp.where(iota == i0, -jnp.inf, logits)
    m1 = jnp.max(masked, axis=-1, keepdims=True)
    i1 = jnp.min(jnp.where(masked == m1, iota, E), axis=-1, keepdims=True)
    g0 = jax.nn.sigmoid(m0)
    g1 = jax.nn.sigmoid(m1)
    s = g0 + g1
    o_s[pl.ds(0, N), :] = (iota == i0).astype(jnp.float32)
    o_s[pl.ds(N, N), :] = (iota == i1).astype(jnp.float32)
    w_ref[pl.ds(0, N), :] = jnp.broadcast_to(g0 / s, (N, 16))
    w_ref[pl.ds(N, N), :] = jnp.broadcast_to(g1 / s, (N, 16))

    BL = 256
    li = lax.broadcasted_iota(jnp.int32, (BL, BL), 0)
    lj = lax.broadcasted_iota(jnp.int32, (BL, BL), 1)
    ltri = (li >= lj).astype(jnp.float32)
    base = jnp.zeros((1, E), jnp.float32)
    for b in range(NP // BL):
        blk = o_s[pl.ds(b * BL, BL), :]
        incl = jnp.dot(ltri, blk, preferred_element_type=jnp.float32)
        r_s[pl.ds(b * BL, BL), :] = incl - blk + base
        base = base + jnp.sum(blk, axis=0, keepdims=True)

    counts = base
    ptc = jnp.floor((counts + (TM - 1)) / TM)
    fe = lax.broadcasted_iota(jnp.int32, (E, E), 0)
    ee = lax.broadcasted_iota(jnp.int32, (E, E), 1)
    strict = (fe < ee).astype(jnp.float32)
    offt = jnp.dot(ptc, strict, preferred_element_type=jnp.float32)
    o = o_s[...]
    pos = (jnp.sum(o * (offt * TM), axis=1, keepdims=True)
           + jnp.sum(o * r_s[...], axis=1, keepdims=True))
    pos_ref[...] = pos.astype(jnp.int32)

    tend = offt + ptc
    ti = lax.broadcasted_iota(jnp.int32, (TEXP_PAD, 1), 0).astype(jnp.float32)
    cnt = jnp.sum((ti >= tend).astype(jnp.float32), axis=1, keepdims=True)
    texp_ref[...] = jnp.minimum(cnt, float(E - 1)).astype(jnp.int32)


def _gate_route(x_flat, Wg, bg, eb):
    return pl.pallas_call(
        _gate_route_kernel,
        out_shape=(
            jax.ShapeDtypeStruct((NP, 1), jnp.int32),
            jax.ShapeDtypeStruct((NP, 16), jnp.float32),
            jax.ShapeDtypeStruct((TEXP_PAD, 1), jnp.int32),
        ),
        scratch_shapes=[
            pltpu.VMEM((NP, E), jnp.float32),
            pltpu.VMEM((NP, E), jnp.float32),
        ],
    )(x_flat, Wg, bg.reshape(1, E), eb.reshape(1, E))



@functools.lru_cache(maxsize=None)
def _make_dispatch():
    mesh = plsc.VectorSubcoreMesh(core_axis_name="c", subcore_axis_name="s")

    @functools.partial(
        pl.kernel, mesh=mesh,
        out_type=jax.ShapeDtypeStruct((NS, D), jnp.float32),
        scratch_types=[
            pltpu.VMEM((CH,), jnp.int32),
            pltpu.VMEM((CH, D), jnp.float32),
            pltpu.SemaphoreType.DMA,
        ],
    )
    def _dispatch(x_hbm, pos_hbm, xs_hbm, idx_v, row_v, sem_x):
        wid = lax.axis_index("s") * 2 + lax.axis_index("c")
        base = wid * (NP // NW)
        trow = (wid % 16) * (NP // NW)
        for ci in range(NP // NW // CH):
            pltpu.sync_copy(pos_hbm.at[pl.ds(base + ci * CH, CH)], idx_v)
            pltpu.sync_copy(x_hbm.at[pl.ds(trow + ci * CH, CH)], row_v)
            pltpu.async_copy(row_v, xs_hbm.at[idx_v], sem_x).wait()

    return _dispatch



def _expert_mlp_kernel(texp_ref, xs_ref, w1_ref, b1_ref, w2_ref, b2_ref,
                       out_ref):
    xb = xs_ref[...].astype(jnp.bfloat16)
    h = jnp.dot(xb, w1_ref[0], preferred_element_type=jnp.float32) + b1_ref[0]
    h = _gelu_exact(h)
    o = (jnp.dot(h.astype(jnp.bfloat16), w2_ref[0],
                 preferred_element_type=jnp.float32) + b2_ref[0])
    out_ref[...] = o


def _expert_mlp(texp, xs, W1bf, b1r, W2bf, b2r):
    grid_spec = pltpu.PrefetchScalarGridSpec(
        num_scalar_prefetch=1,
        grid=(NT,),
        in_specs=[
            pl.BlockSpec((TM, D), lambda t, texp: (t, 0)),
            pl.BlockSpec((1, D, DF), lambda t, texp: (texp[t], 0, 0)),
            pl.BlockSpec((1, 1, DF), lambda t, texp: (texp[t], 0, 0)),
            pl.BlockSpec((1, DF, D), lambda t, texp: (texp[t], 0, 0)),
            pl.BlockSpec((1, 1, D), lambda t, texp: (texp[t], 0, 0)),
        ],
        out_specs=pl.BlockSpec((TM, D), lambda t, texp: (t, 0)),
    )
    return pl.pallas_call(
        _expert_mlp_kernel,
        grid_spec=grid_spec,
        out_shape=jax.ShapeDtypeStruct((NS, D), jnp.float32),
    )(texp, xs, W1bf, b1r, W2bf, b2r)



@functools.lru_cache(maxsize=None)
def _make_gather_pair():
    mesh = plsc.VectorSubcoreMesh(core_axis_name="c", subcore_axis_name="s")

    @functools.partial(
        pl.kernel, mesh=mesh,
        out_type=(
            jax.ShapeDtypeStruct((N, D), jnp.float32),
            jax.ShapeDtypeStruct((N, D), jnp.float32),
        ),
        scratch_types=[
            pltpu.VMEM((CH,), jnp.int32),
            pltpu.VMEM((CH,), jnp.int32),
            pltpu.VMEM((CH, D), jnp.float32),
            pltpu.VMEM((CH, D), jnp.float32),
            pltpu.SemaphoreType.DMA,
            pltpu.SemaphoreType.DMA,
        ],
    )
    def _gather_pair(op_hbm, pos_hbm, o0_hbm, o1_hbm, p0_v, p1_v, r0_v, r1_v,
                     sem0, sem1):
        wid = lax.axis_index("s") * 2 + lax.axis_index("c")
        tbase = wid * (N // NW)
        for ci in range(N // NW // CH):
            tb = tbase + ci * CH
            pltpu.sync_copy(pos_hbm.at[pl.ds(tb, CH)], p0_v)
            pltpu.sync_copy(pos_hbm.at[pl.ds(N + tb, CH)], p1_v)
            c0 = pltpu.async_copy(op_hbm.at[p0_v], r0_v, sem0)
            c1 = pltpu.async_copy(op_hbm.at[p1_v], r1_v, sem1)
            c0.wait()
            c1.wait()
            pltpu.sync_copy(r0_v, o0_hbm.at[pl.ds(tb, CH)])
            pltpu.sync_copy(r1_v, o1_hbm.at[pl.ds(tb, CH)])

    return _gather_pair



def _add_kernel(a_ref, wa_ref, b_ref, wb_ref, o_ref):
    o_ref[...] = a_ref[...] * wa_ref[...] + b_ref[...] * wb_ref[...]


def _add(a, wa, b, wb):
    return pl.pallas_call(
        _add_kernel,
        grid=(8,),
        in_specs=[pl.BlockSpec((N // 8, D), lambda t: (t, 0)),
                  pl.BlockSpec((N // 8, 1), lambda t: (t, 0)),
                  pl.BlockSpec((N // 8, D), lambda t: (t, 0)),
                  pl.BlockSpec((N // 8, 1), lambda t: (t, 0))],
        out_specs=pl.BlockSpec((N // 8, D), lambda t: (t, 0)),
        out_shape=jax.ShapeDtypeStruct((N, D), jnp.float32),
    )(a, wa, b, wb)



@jax.jit
def kernel(x, Wg, bg, expert_biases, W1, b1, W2, b2):
    orig_shape = x.shape
    x_flat = x.reshape(N, D)
    pos2d, w16, texp_pad = _gate_route(x_flat, Wg, bg, expert_biases)
    pos = pos2d.reshape(NP)
    texp = texp_pad.reshape(TEXP_PAD)[:NT]
    xs = _make_dispatch()(x_flat, pos)
    out_pairs = _expert_mlp(texp, xs, W1.astype(jnp.bfloat16),
                            b1.reshape(E, 1, DF), W2.astype(jnp.bfloat16),
                            b2.reshape(E, 1, D))
    o0, o1 = _make_gather_pair()(out_pairs, pos)
    return _add(o0, w16[:N, :1], o1, w16[N:, :1]).reshape(orig_shape)

# --- scband reference (transcript-rebuilt; emitter-appended) ---
"""Pipeline reference for scband-mo-elayer-74113955660343 (READ-ONLY COPY).

The authoritative reference and input builder live on the scoring server;
editing this copy changes nothing except your own understanding.
"""

import jax, jax.numpy as jnp
import numpy as np

E = 8
K = 2
D = 1024
DF = 2048


def setup_inputs(seed: int = 0) -> dict:
    key = jax.random.key(seed)
    ks = jax.random.split(key, 8)
    x = jax.random.normal(ks[0], (1, 2, 32, 32, D), dtype=jnp.float32)
    Wg = jax.random.normal(ks[1], (D, E), dtype=jnp.float32) * 0.02
    bg = jnp.zeros((E,), dtype=jnp.float32)
    expert_biases = jnp.zeros((E,), dtype=jnp.float32)
    W1 = jax.random.normal(ks[2], (E, D, DF), dtype=jnp.float32) * 0.02
    b1 = jnp.zeros((E, DF), dtype=jnp.float32)
    W2 = jax.random.normal(ks[3], (E, DF, D), dtype=jnp.float32) * 0.02
    b2 = jnp.zeros((E, D), dtype=jnp.float32)
    return {"x": x, "Wg": Wg, "bg": bg, "expert_biases": expert_biases,
            "W1": W1, "b1": b1, "W2": W2, "b2": b2}


def reference(x, Wg, bg, expert_biases, W1, b1, W2, b2):
    original_shape = x.shape
    C = original_shape[-1]
    x_flat = x.reshape(-1, C)
    # gate + bias-free-aux correction term
    gate_output = x_flat @ Wg + bg
    gate_logits = gate_output + expert_biases
    top_k_values, top_k_indices = jax.lax.top_k(gate_logits, K)
    gate_probs = jax.nn.sigmoid(top_k_values)
    gate_probs = gate_probs / jnp.sum(gate_probs, axis=-1, keepdims=True)
    # combine weights [N, E]: prob where expert selected, else 0 (topk indices are distinct)
    comb = jnp.sum(jax.nn.one_hot(top_k_indices, E, dtype=x_flat.dtype) * gate_probs[..., None], axis=1)
    # expert MLPs: Linear -> GELU(exact) -> Linear -> Dropout(eval: identity)
    final_output = jnp.zeros_like(x_flat)
    for e in range(E):
        h = jax.nn.gelu(x_flat @ W1[e] + b1[e], approximate=False)
        o = h @ W2[e] + b2[e]
        final_output = final_output + o * comb[:, e:e + 1]
    return final_output.reshape(original_shape)

if __name__ == "__main__":
    import jax
    _d = setup_inputs()
    print(jax.jit(kernel)(*tuple(_d.values())))

</pallas_src>

<mosaic_0001>
#map = affine_map<(d0, d1) -> (0, 0)>
#map1 = affine_map<(d0, d1) -> (0)>
module attributes {stable_mosaic.version = 14 : i64} {
  func.func @_gather_pair(%arg0: i32, %arg1: i32, %arg2: memref<5120x1024xf32, #tpu.memory_space<hbm>>, %arg3: memref<4096xi32, #tpu.memory_space<hbm>>, %arg4: memref<2048x1024xf32, #tpu.memory_space<hbm>>, %arg5: memref<2048x1024xf32, #tpu.memory_space<hbm>>, %arg6: memref<32xi32, #tpu.memory_space<vmem>>, %arg7: memref<32xi32, #tpu.memory_space<vmem>>, %arg8: memref<32x1024xf32, #tpu.memory_space<vmem>>, %arg9: memref<32x1024xf32, #tpu.memory_space<vmem>>, %arg10: memref<!tpu.dma_semaphore, #tpu.memory_space<semaphore_mem>>, %arg11: memref<!tpu.dma_semaphore, #tpu.memory_space<semaphore_mem>>) attributes {dimension_semantics = [#tpu.dimension_semantics<core_parallel>, #tpu.dimension_semantics<subcore_parallel>], iteration_bounds = array<i64: 2, 16>, scalar_prefetch = 0 : i64, scratch_operands = 6 : i64, tpu.core_type = #tpu.core_type<sc_vector_subcore>, window_params = [{transform_indices = #map}, {transform_indices = #map1}, {transform_indices = #map}, {transform_indices = #map}]} {
    %mul3A = arith.constant 2 : i32
    %mul3A_0 = arith.muli %arg1, %mul3A : i32
    %add3A = arith.addi %mul3A_0, %arg0 : i32
    %mul3A_1 = arith.constant 64 : i32
    %mul3A_2 = arith.muli %add3A, %mul3A_1 : i32
    %add3A_3 = arith.constant 0 : i32
    %add3A_4 = arith.addi %mul3A_2, %add3A_3 : i32
    "tpu.region"() ({
      %run_scoped3A = tpu.sem_alloc : memref<!tpu.dma_semaphore, #tpu.memory_space<semaphore_mem>>
      %dma_start3A_33 = tpu.memref_slice %arg3[%add3A_4] : memref<4096xi32, #tpu.memory_space<hbm>> -> memref<32xi32, #tpu.memory_space<hbm>>
      %dma_start3A_34 = tpu.memref_slice %arg3[%add3A_4] : memref<4096xi32, #tpu.memory_space<hbm>> -> memref<32xi32, #tpu.memory_space<hbm>>
      tpu.enqueue_dma source(%dma_start3A_34 : memref<32xi32, #tpu.memory_space<hbm>>) target(%arg6 : memref<32xi32, #tpu.memory_space<vmem>>) target_semaphore(%run_scoped3A : memref<!tpu.dma_semaphore, #tpu.memory_space<semaphore_mem>>)
      %dma_wait3A_35 = tpu.memref_slice %arg3[%add3A_4] : memref<4096xi32, #tpu.memory_space<hbm>> -> memref<32xi32, #tpu.memory_space<hbm>>
      %dma_wait3A_36 = tpu.memref_slice %arg3[%add3A_4] : memref<4096xi32, #tpu.memory_space<hbm>> -> memref<32xi32, #tpu.memory_space<hbm>>
      tpu.wait_dma2 semaphore(%run_scoped3A : memref<!tpu.dma_semaphore, #tpu.memory_space<semaphore_mem>>) src(%dma_wait3A_36 : memref<32xi32, #tpu.memory_space<hbm>>) dst(%arg6 : memref<32xi32, #tpu.memory_space<vmem>>)
      tpu.yield
    }) : () -> ()
    %add3A_5 = arith.constant 2048 : i32
    %add3A_6 = arith.addi %add3A_5, %add3A_4 : i32
    "tpu.region"() ({
      %run_scoped3A = tpu.sem_alloc : memref<!tpu.dma_semaphore, #tpu.memory_space<semaphore_mem>>
      %dma_start3A_33 = tpu.memref_slice %arg3[%add3A_6] : memref<4096xi32, #tpu.memory_space<hbm>> -> memref<32xi32, #tpu.memory_space<hbm>>
      %dma_start3A_34 = tpu.memref_slice %arg3[%add3A_6] : memref<4096xi32, #tpu.memory_space<hbm>> -> memref<32xi32, #tpu.memory_space<hbm>>
      tpu.enqueue_dma source(%dma_start3A_34 : memref<32xi32, #tpu.memory_space<hbm>>) target(%arg7 : memref<32xi32, #tpu.memory_space<vmem>>) target_semaphore(%run_scoped3A : memref<!tpu.dma_semaphore, #tpu.memory_space<semaphore_mem>>)
      %dma_wait3A_35 = tpu.memref_slice %arg3[%add3A_6] : memref<4096xi32, #tpu.memory_space<hbm>> -> memref<32xi32, #tpu.memory_space<hbm>>
      %dma_wait3A_36 = tpu.memref_slice %arg3[%add3A_6] : memref<4096xi32, #tpu.memory_space<hbm>> -> memref<32xi32, #tpu.memory_space<hbm>>
      tpu.wait_dma2 semaphore(%run_scoped3A : memref<!tpu.dma_semaphore, #tpu.memory_space<semaphore_mem>>) src(%dma_wait3A_36 : memref<32xi32, #tpu.memory_space<hbm>>) dst(%arg7 : memref<32xi32, #tpu.memory_space<vmem>>)
      tpu.yield
    }) : () -> ()
    %dma_start3A = arith.constant 0 : i32
    %dma_start3A_7 = arith.constant 0 : i32
    %dma_start3A_8 = tpu.memref_slice %arg2[%dma_start3A, %dma_start3A_7] : memref<5120x1024xf32, #tpu.memory_space<hbm>> -> memref<5120x1024xf32, #tpu.memory_space<hbm>>
    tpu.enqueue_indirect_dma source(%dma_start3A_8 : memref<5120x1024xf32, #tpu.memory_space<hbm>>) target(%arg8 : memref<32x1024xf32, #tpu.memory_space<vmem>>) offsets(%arg6 : memref<32xi32, #tpu.memory_space<vmem>>) semaphore(%arg10 : memref<!tpu.dma_semaphore, #tpu.memory_space<semaphore_mem>>)
    %dma_start3A_9 = arith.constant 0 : i32
    %dma_start3A_10 = arith.constant 0 : i32
    %dma_start3A_11 = tpu.memref_slice %arg2[%dma_start3A_9, %dma_start3A_10] : memref<5120x1024xf32, #tpu.memory_space<hbm>> -> memref<5120x1024xf32, #tpu.memory_space<hbm>>
    tpu.enqueue_indirect_dma source(%dma_start3A_11 : memref<5120x1024xf32, #tpu.memory_space<hbm>>) target(%arg9 : memref<32x1024xf32, #tpu.memory_space<vmem>>) offsets(%arg7 : memref<32xi32, #tpu.memory_space<vmem>>) semaphore(%arg11 : memref<!tpu.dma_semaphore, #tpu.memory_space<semaphore_mem>>)
    %dma_wait3A = arith.constant 0 : i32
    %dma_wait3A_12 = arith.constant 0 : i32
    %dma_wait3A_13 = tpu.memref_slice %arg2[%dma_wait3A, %dma_wait3A_12] : memref<5120x1024xf32, #tpu.memory_space<hbm>> -> memref<5120x1024xf32, #tpu.memory_space<hbm>>
    tpu.wait_indirect_dma semaphore(%arg10 : memref<!tpu.dma_semaphore, #tpu.memory_space<semaphore_mem>>) src(%dma_wait3A_13 : memref<5120x1024xf32, #tpu.memory_space<hbm>>) dst(%arg8 : memref<32x1024xf32, #tpu.memory_space<vmem>>)
    %dma_wait3A_14 = arith.constant 0 : i32
    %dma_wait3A_15 = arith.constant 0 : i32
    %dma_wait3A_16 = tpu.memref_slice %arg2[%dma_wait3A_14, %dma_wait3A_15] : memref<5120x1024xf32, #tpu.memory_space<hbm>> -> memref<5120x1024xf32, #tpu.memory_space<hbm>>
    tpu.wait_indirect_dma semaphore(%arg11 : memref<!tpu.dma_semaphore, #tpu.memory_space<semaphore_mem>>) src(%dma_wait3A_16 : memref<5120x1024xf32, #tpu.memory_space<hbm>>) dst(%arg9 : memref<32x1024xf32, #tpu.memory_space<vmem>>)
    "tpu.region"() ({
      %run_scoped3A = tpu.sem_alloc : memref<!tpu.dma_semaphore, #tpu.memory_space<semaphore_mem>>
      %dma_start3A_33 = arith.constant 0 : i32
      %dma_start3A_34 = tpu.memref_slice %arg4[%add3A_4, %dma_start3A_33] : memref<2048x1024xf32, #tpu.memory_space<hbm>> -> memref<32x1024xf32, #tpu.memory_space<hbm>>
      %dma_start3A_35 = arith.constant 0 : i32
      %dma_start3A_36 = tpu.memref_slice %arg4[%add3A_4, %dma_start3A_35] : memref<2048x1024xf32, #tpu.memory_space<hbm>> -> memref<32x1024xf32, #tpu.memory_space<hbm>>
      tpu.enqueue_dma source(%arg8 : memref<32x1024xf32, #tpu.memory_space<vmem>>) target(%dma_start3A_36 : memref<32x1024xf32, #tpu.memory_space<hbm>>) target_semaphore(%run_scoped3A : memref<!tpu.dma_semaphore, #tpu.memory_space<semaphore_mem>>)
      %dma_wait3A_37 = arith.constant 0 : i32
      %dma_wait3A_38 = tpu.memref_slice %arg4[%add3A_4, %dma_wait3A_37] : memref<2048x1024xf32, #tpu.memory_space<hbm>> -> memref<32x1024xf32, #tpu.memory_space<hbm>>
      %dma_wait3A_39 = arith.constant 0 : i32
      %dma_wait3A_40 = tpu.memref_slice %arg4[%add3A_4, %dma_wait3A_39] : memref<2048x1024xf32, #tpu.memory_space<hbm>> -> memref<32x1024xf32, #tpu.memory_space<hbm>>
      tpu.wait_dma2 semaphore(%run_scoped3A : memref<!tpu.dma_semaphore, #tpu.memory_space<semaphore_mem>>) src(%arg8 : memref<32x1024xf32, #tpu.memory_space<vmem>>) dst(%dma_wait3A_40 : memref<32x1024xf32, #tpu.memory_space<hbm>>)
      tpu.yield
    }) : () -> ()
    "tpu.region"() ({
      %run_scoped3A = tpu.sem_alloc : memref<!tpu.dma_semaphore, #tpu.memory_space<semaphore_mem>>
      %dma_start3A_33 = arith.constant 0 : i32
      %dma_start3A_34 = tpu.memref_slice %arg5[%add3A_4, %dma_start3A_33] : memref<2048x1024xf32, #tpu.memory_space<hbm>> -> memref<32x1024xf32, #tpu.memory_space<hbm>>
      %dma_start3A_35 = arith.constant 0 : i32
      %dma_start3A_36 = tpu.memref_slice %arg5[%add3A_4, %dma_start3A_35] : memref<2048x1024xf32, #tpu.memory_space<hbm>> -> memref<32x1024xf32, #tpu.memory_space<hbm>>
      tpu.enqueue_dma source(%arg9 : memref<32x1024xf32, #tpu.memory_space<vmem>>) target(%dma_start3A_36 : memref<32x1024xf32, #tpu.memory_space<hbm>>) target_semaphore(%run_scoped3A : memref<!tpu.dma_semaphore, #tpu.memory_space<semaphore_mem>>)
      %dma_wait3A_37 = arith.constant 0 : i32
      %dma_wait3A_38 = tpu.memref_slice %arg5[%add3A_4, %dma_wait3A_37] : memref<2048x1024xf32, #tpu.memory_space<hbm>> -> memref<32x1024xf32, #tpu.memory_space<hbm>>
      %dma_wait3A_39 = arith.constant 0 : i32
      %dma_wait3A_40 = tpu.memref_slice %arg5[%add3A_4, %dma_wait3A_39] : memref<2048x1024xf32, #tpu.memory_space<hbm>> -> memref<32x1024xf32, #tpu.memory_space<hbm>>
      tpu.wait_dma2 semaphore(%run_scoped3A : memref<!tpu.dma_semaphore, #tpu.memory_space<semaphore_mem>>) src(%arg9 : memref<32x1024xf32, #tpu.memory_space<vmem>>) dst(%dma_wait3A_40 : memref<32x1024xf32, #tpu.memory_space<hbm>>)
      tpu.yield
    }) : () -> ()
    %add3A_17 = arith.constant 32 : i32
    %add3A_18 = arith.addi %mul3A_2, %add3A_17 : i32
    "tpu.region"() ({
      %run_scoped3A = tpu.sem_alloc : memref<!tpu.dma_semaphore, #tpu.memory_space<semaphore_mem>>
      %dma_start3A_33 = tpu.memref_slice %arg3[%add3A_18] : memref<4096xi32, #tpu.memory_space<hbm>> -> memref<32xi32, #tpu.memory_space<hbm>>
      %dma_start3A_34 = tpu.memref_slice %arg3[%add3A_18] : memref<4096xi32, #tpu.memory_space<hbm>> -> memref<32xi32, #tpu.memory_space<hbm>>
      tpu.enqueue_dma source(%dma_start3A_34 : memref<32xi32, #tpu.memory_space<hbm>>) target(%arg6 : memref<32xi32, #tpu.memory_space<vmem>>) target_semaphore(%run_scoped3A : memref<!tpu.dma_semaphore, #tpu.memory_space<semaphore_mem>>)
      %dma_wait3A_35 = tpu.memref_slice %arg3[%add3A_18] : memref<4096xi32, #tpu.memory_space<hbm>> -> memref<32xi32, #tpu.memory_space<hbm>>
      %dma_wait3A_36 = tpu.memref_slice %arg3[%add3A_18] : memref<4096xi32, #tpu.memory_space<hbm>> -> memref<32xi32, #tpu.memory_space<hbm>>
      tpu.wait_dma2 semaphore(%run_scoped3A : memref<!tpu.dma_semaphore, #tpu.memory_space<semaphore_mem>>) src(%dma_wait3A_36 : memref<32xi32, #tpu.memory_space<hbm>>) dst(%arg6 : memref<32xi32, #tpu.memory_space<vmem>>)
      tpu.yield
    }) : () -> ()
    %add3A_19 = arith.constant 2048 : i32
    %add3A_20 = arith.addi %add3A_19, %add3A_18 : i32
    "tpu.region"() ({
      %run_scoped3A = tpu.sem_alloc : memref<!tpu.dma_semaphore, #tpu.memory_space<semaphore_mem>>
      %dma_start3A_33 = tpu.memref_slice %arg3[%add3A_20] : memref<4096xi32, #tpu.memory_space<hbm>> -> memref<32xi32, #tpu.memory_space<hbm>>
      %dma_start3A_34 = tpu.memref_slice %arg3[%add3A_20] : memref<4096xi32, #tpu.memory_space<hbm>> -> memref<32xi32, #tpu.memory_space<hbm>>
      tpu.enqueue_dma source(%dma_start3A_34 : memref<32xi32, #tpu.memory_space<hbm>>) target(%arg7 : memref<32xi32, #tpu.memory_space<vmem>>) target_semaphore(%run_scoped3A : memref<!tpu.dma_semaphore, #tpu.memory_space<semaphore_mem>>)
      %dma_wait3A_35 = tpu.memref_slice %arg3[%add3A_20] : memref<4096xi32, #tpu.memory_space<hbm>> -> memref<32xi32, #tpu.memory_space<hbm>>
      %dma_wait3A_36 = tpu.memref_slice %arg3[%add3A_20] : memref<4096xi32, #tpu.memory_space<hbm>> -> memref<32xi32, #tpu.memory_space<hbm>>
      tpu.wait_dma2 semaphore(%run_scoped3A : memref<!tpu.dma_semaphore, #tpu.memory_space<semaphore_mem>>) src(%dma_wait3A_36 : memref<32xi32, #tpu.memory_space<hbm>>) dst(%arg7 : memref<32xi32, #tpu.memory_space<vmem>>)
      tpu.yield
    }) : () -> ()
    %dma_start3A_21 = arith.constant 0 : i32
    %dma_start3A_22 = arith.constant 0 : i32
    %dma_start3A_23 = tpu.memref_slice %arg2[%dma_start3A_21, %dma_start3A_22] : memref<5120x1024xf32, #tpu.memory_space<hbm>> -> memref<5120x1024xf32, #tpu.memory_space<hbm>>
    tpu.enqueue_indirect_dma source(%dma_start3A_23 : memref<5120x1024xf32, #tpu.memory_space<hbm>>) target(%arg8 : memref<32x1024xf32, #tpu.memory_space<vmem>>) offsets(%arg6 : memref<32xi32, #tpu.memory_space<vmem>>) semaphore(%arg10 : memref<!tpu.dma_semaphore, #tpu.memory_space<semaphore_mem>>)
    %dma_start3A_24 = arith.constant 0 : i32
    %dma_start3A_25 = arith.constant 0 : i32
    %dma_start3A_26 = tpu.memref_slice %arg2[%dma_start3A_24, %dma_start3A_25] : memref<5120x1024xf32, #tpu.memory_space<hbm>> -> memref<5120x1024xf32, #tpu.memory_space<hbm>>
    tpu.enqueue_indirect_dma source(%dma_start3A_26 : memref<5120x1024xf32, #tpu.memory_space<hbm>>) target(%arg9 : memref<32x1024xf32, #tpu.memory_space<vmem>>) offsets(%arg7 : memref<32xi32, #tpu.memory_space<vmem>>) semaphore(%arg11 : memref<!tpu.dma_semaphore, #tpu.memory_space<semaphore_mem>>)
    %dma_wait3A_27 = arith.constant 0 : i32
    %dma_wait3A_28 = arith.constant 0 : i32
    %dma_wait3A_29 = tpu.memref_slice %arg2[%dma_wait3A_27, %dma_wait3A_28] : memref<5120x1024xf32, #tpu.memory_space<hbm>> -> memref<5120x1024xf32, #tpu.memory_space<hbm>>
    tpu.wait_indirect_dma semaphore(%arg10 : memref<!tpu.dma_semaphore, #tpu.memory_space<semaphore_mem>>) src(%dma_wait3A_29 : memref<5120x1024xf32, #tpu.memory_space<hbm>>) dst(%arg8 : memref<32x1024xf32, #tpu.memory_space<vmem>>)
    %dma_wait3A_30 = arith.constant 0 : i32
    %dma_wait3A_31 = arith.constant 0 : i32
    %dma_wait3A_32 = tpu.memref_slice %arg2[%dma_wait3A_30, %dma_wait3A_31] : memref<5120x1024xf32, #tpu.memory_space<hbm>> -> memref<5120x1024xf32, #tpu.memory_space<hbm>>
    tpu.wait_indirect_dma semaphore(%arg11 : memref<!tpu.dma_semaphore, #tpu.memory_space<semaphore_mem>>) src(%dma_wait3A_32 : memref<5120x1024xf32, #tpu.memory_space<hbm>>) dst(%arg9 : memref<32x1024xf32, #tpu.memory_space<vmem>>)
    "tpu.region"() ({
      %run_scoped3A = tpu.sem_alloc : memref<!tpu.dma_semaphore, #tpu.memory_space<semaphore_mem>>
      %dma_start3A_33 = arith.constant 0 : i32
      %dma_start3A_34 = tpu.memref_slice %arg4[%add3A_18, %dma_start3A_33] : memref<2048x1024xf32, #tpu.memory_space<hbm>> -> memref<32x1024xf32, #tpu.memory_space<hbm>>
      %dma_start3A_35 = arith.constant 0 : i32
      %dma_start3A_36 = tpu.memref_slice %arg4[%add3A_18, %dma_start3A_35] : memref<2048x1024xf32, #tpu.memory_space<hbm>> -> memref<32x1024xf32, #tpu.memory_space<hbm>>
      tpu.enqueue_dma source(%arg8 : memref<32x1024xf32, #tpu.memory_space<vmem>>) target(%dma_start3A_36 : memref<32x1024xf32, #tpu.memory_space<hbm>>) target_semaphore(%run_scoped3A : memref<!tpu.dma_semaphore, #tpu.memory_space<semaphore_mem>>)
      %dma_wait3A_37 = arith.constant 0 : i32
      %dma_wait3A_38 = tpu.memref_slice %arg4[%add3A_18, %dma_wait3A_37] : memref<2048x1024xf32, #tpu.memory_space<hbm>> -> memref<32x1024xf32, #tpu.memory_space<hbm>>
      %dma_wait3A_39 = arith.constant 0 : i32
      %dma_wait3A_40 = tpu.memref_slice %arg4[%add3A_18, %dma_wait3A_39] : memref<2048x1024xf32, #tpu.memory_space<hbm>> -> memref<32x1024xf32, #tpu.memory_space<hbm>>
      tpu.wait_dma2 semaphore(%run_scoped3A : memref<!tpu.dma_semaphore, #tpu.memory_space<semaphore_mem>>) src(%arg8 : memref<32x1024xf32, #tpu.memory_space<vmem>>) dst(%dma_wait3A_40 : memref<32x1024xf32, #tpu.memory_space<hbm>>)
      tpu.yield
    }) : () -> ()
    "tpu.region"() ({
      %run_scoped3A = tpu.sem_alloc : memref<!tpu.dma_semaphore, #tpu.memory_space<semaphore_mem>>
      %dma_start3A_33 = arith.constant 0 : i32
      %dma_start3A_34 = tpu.memref_slice %arg5[%add3A_18, %dma_start3A_33] : memref<2048x1024xf32, #tpu.memory_space<hbm>> -> memref<32x1024xf32, #tpu.memory_space<hbm>>
      %dma_start3A_35 = arith.constant 0 : i32
      %dma_start3A_36 = tpu.memref_slice %arg5[%add3A_18, %dma_start3A_35] : memref<2048x1024xf32, #tpu.memory_space<hbm>> -> memref<32x1024xf32, #tpu.memory_space<hbm>>
      tpu.enqueue_dma source(%arg9 : memref<32x1024xf32, #tpu.memory_space<vmem>>) target(%dma_start3A_36 : memref<32x1024xf32, #tpu.memory_space<hbm>>) target_semaphore(%run_scoped3A : memref<!tpu.dma_semaphore, #tpu.memory_space<semaphore_mem>>)
      %dma_wait3A_37 = arith.constant 0 : i32
      %dma_wait3A_38 = tpu.memref_slice %arg5[%add3A_18, %dma_wait3A_37] : memref<2048x1024xf32, #tpu.memory_space<hbm>> -> memref<32x1024xf32, #tpu.memory_space<hbm>>
      %dma_wait3A_39 = arith.constant 0 : i32
      %dma_wait3A_40 = tpu.memref_slice %arg5[%add3A_18, %dma_wait3A_39] : memref<2048x1024xf32, #tpu.memory_space<hbm>> -> memref<32x1024xf32, #tpu.memory_space<hbm>>
      tpu.wait_dma2 semaphore(%run_scoped3A : memref<!tpu.dma_semaphore, #tpu.memory_space<semaphore_mem>>) src(%arg9 : memref<32x1024xf32, #tpu.memory_space<vmem>>) dst(%dma_wait3A_40 : memref<32x1024xf32, #tpu.memory_space<hbm>>)
      tpu.yield
    }) : () -> ()
    return
  }
}

#map = affine_map<(d0, d1) -> (0, 0)>
#map1 = affine_map<(d0, d1) -> (0)>
module attributes {stable_mosaic.version = 14 : i64} {
  func.func @_dispatch(%arg0: i32, %arg1: i32, %arg2: memref<2048x1024xf32, #tpu.memory_space<hbm>>, %arg3: memref<4096xi32, #tpu.memory_space<hbm>>, %arg4: memref<5120x1024xf32, #tpu.memory_space<hbm>>, %arg5: memref<32xi32, #tpu.memory_space<vmem>>, %arg6: memref<32x1024xf32, #tpu.memory_space<vmem>>, %arg7: memref<!tpu.dma_semaphore, #tpu.memory_space<semaphore_mem>>) attributes {dimension_semantics = [#tpu.dimension_semantics<core_parallel>, #tpu.dimension_semantics<subcore_parallel>], iteration_bounds = array<i64: 2, 16>, scalar_prefetch = 0 : i64, scratch_operands = 3 : i64, tpu.core_type = #tpu.core_type<sc_vector_subcore>, window_params = [{transform_indices = #map}, {transform_indices = #map1}, {transform_indices = #map}]} {
    %mul3A = arith.constant 2 : i32
    %mul3A_0 = arith.muli %arg1, %mul3A : i32
    %add3A = arith.addi %mul3A_0, %arg0 : i32
    %mul3A_1 = arith.constant 128 : i32
    %mul3A_2 = arith.muli %add3A, %mul3A_1 : i32
    %jit3A = arith.constant 16 : i32
    %eq3A = arith.constant 0 : i32
    %eq3A_3 = arith.cmpi eq, %jit3A, %eq3A : i32
    %jit3A_4 = arith.constant 1 : i32
    %select_n3A = arith.select %eq3A_3, %jit3A_4, %jit3A : i32
    %rem3A = arith.remsi %add3A, %select_n3A : i32
    %ne3A = arith.constant 0 : i32
    %ne3A_5 = arith.cmpi ne, %rem3A, %ne3A : i32
    %lt3A = arith.constant 0 : i32
    %lt3A_6 = arith.cmpi slt, %rem3A, %lt3A : i32
    %lt3A_7 = arith.constant 0 : i32
    %lt3A_8 = arith.cmpi slt, %select_n3A, %lt3A_7 : i32
    %ne3A_9 = arith.xori %lt3A_6, %lt3A_8 : i1
    %and3A = arith.andi %ne3A_9, %ne3A_5 : i1
    %add3A_10 = arith.addi %rem3A, %select_n3A : i32
    %select_n3A_11 = arith.select %and3A, %add3A_10, %rem3A : i32
    %mul3A_12 = arith.constant 128 : i32
    %mul3A_13 = arith.muli %select_n3A_11, %mul3A_12 : i32
    %add3A_14 = arith.constant 0 : i32
    %add3A_15 = arith.addi %mul3A_2, %add3A_14 : i32
    "tpu.region"() ({
      %run_scoped3A = tpu.sem_alloc : memref<!tpu.dma_semaphore, #tpu.memory_space<semaphore_mem>>
      %dma_start3A_52 = tpu.memref_slice %arg3[%add3A_15] : memref<4096xi32, #tpu.memory_space<hbm>> -> memref<32xi32, #tpu.memory_space<hbm>>
      %dma_start3A_53 = tpu.memref_slice %arg3[%add3A_15] : memref<4096xi32, #tpu.memory_space<hbm>> -> memref<32xi32, #tpu.memory_space<hbm>>
      tpu.enqueue_dma source(%dma_start3A_53 : memref<32xi32, #tpu.memory_space<hbm>>) target(%arg5 : memref<32xi32, #tpu.memory_space<vmem>>) target_semaphore(%run_scoped3A : memref<!tpu.dma_semaphore, #tpu.memory_space<semaphore_mem>>)
      %dma_wait3A_54 = tpu.memref_slice %arg3[%add3A_15] : memref<4096xi32, #tpu.memory_space<hbm>> -> memref<32xi32, #tpu.memory_space<hbm>>
      %dma_wait3A_55 = tpu.memref_slice %arg3[%add3A_15] : memref<4096xi32, #tpu.memory_space<hbm>> -> memref<32xi32, #tpu.memory_space<hbm>>
      tpu.wait_dma2 semaphore(%run_scoped3A : memref<!tpu.dma_semaphore, #tpu.memory_space<semaphore_mem>>) src(%dma_wait3A_55 : memref<32xi32, #tpu.memory_space<hbm>>) dst(%arg5 : memref<32xi32, #tpu.memory_space<vmem>>)
      tpu.yield
    }) : () -> ()
    %add3A_16 = arith.constant 0 : i32
    %add3A_17 = arith.addi %mul3A_13, %add3A_16 : i32
    "tpu.region"() ({
      %run_scoped3A = tpu.sem_alloc : memref<!tpu.dma_semaphore, #tpu.memory_space<semaphore_mem>>
      %dma_start3A_52 = arith.constant 0 : i32
      %dma_start3A_53 = tpu.memref_slice %arg2[%add3A_17, %dma_start3A_52] : memref<2048x1024xf32, #tpu.memory_space<hbm>> -> memref<32x1024xf32, #tpu.memory_space<hbm>>
      %dma_start3A_54 = arith.constant 0 : i32
      %dma_start3A_55 = tpu.memref_slice %arg2[%add3A_17, %dma_start3A_54] : memref<2048x1024xf32, #tpu.memory_space<hbm>> -> memref<32x1024xf32, #tpu.memory_space<hbm>>
      tpu.enqueue_dma source(%dma_start3A_55 : memref<32x1024xf32, #tpu.memory_space<hbm>>) target(%arg6 : memref<32x1024xf32, #tpu.memory_space<vmem>>) target_semaphore(%run_scoped3A : memref<!tpu.dma_semaphore, #tpu.memory_space<semaphore_mem>>)
      %dma_wait3A_56 = arith.constant 0 : i32
      %dma_wait3A_57 = tpu.memref_slice %arg2[%add3A_17, %dma_wait3A_56] : memref<2048x1024xf32, #tpu.memory_space<hbm>> -> memref<32x1024xf32, #tpu.memory_space<hbm>>
      %dma_wait3A_58 = arith.constant 0 : i32
      %dma_wait3A_59 = tpu.memref_slice %arg2[%add3A_17, %dma_wait3A_58] : memref<2048x1024xf32, #tpu.memory_space<hbm>> -> memref<32x1024xf32, #tpu.memory_space<hbm>>
      tpu.wait_dma2 semaphore(%run_scoped3A : memref<!tpu.dma_semaphore, #tpu.memory_space<semaphore_mem>>) src(%dma_wait3A_59 : memref<32x1024xf32, #tpu.memory_space<hbm>>) dst(%arg6 : memref<32x1024xf32, #tpu.memory_space<vmem>>)
      tpu.yield
    }) : () -> ()
    %dma_start3A = arith.constant 0 : i32
    %dma_start3A_18 = arith.constant 0 : i32
    %dma_start3A_19 = tpu.memref_slice %arg4[%dma_start3A, %dma_start3A_18] : memref<5120x1024xf32, #tpu.memory_space<hbm>> -> memref<5120x1024xf32, #tpu.memory_space<hbm>>
    tpu.enqueue_indirect_dma source(%arg6 : memref<32x1024xf32, #tpu.memory_space<vmem>>) target(%dma_start3A_19 : memref<5120x1024xf32, #tpu.memory_space<hbm>>) offsets(%arg5 : memref<32xi32, #tpu.memory_space<vmem>>) semaphore(%arg7 : memref<!tpu.dma_semaphore, #tpu.memory_space<semaphore_mem>>)
    %dma_wait3A = arith.constant 0 : i32
    %dma_wait3A_20 = arith.constant 0 : i32
    %dma_wait3A_21 = tpu.memref_slice %arg4[%dma_wait3A, %dma_wait3A_20] : memref<5120x1024xf32, #tpu.memory_space<hbm>> -> memref<5120x1024xf32, #tpu.memory_space<hbm>>
    tpu.wait_indirect_dma semaphore(%arg7 : memref<!tpu.dma_semaphore, #tpu.memory_space<semaphore_mem>>) src(%arg6 : memref<32x1024xf32, #tpu.memory_space<vmem>>) dst(%dma_wait3A_21 : memref<5120x1024xf32, #tpu.memory_space<hbm>>)
    %add3A_22 = arith.constant 32 : i32
    %add3A_23 = arith.addi %mul3A_2, %add3A_22 : i32
    "tpu.region"() ({
      %run_scoped3A = tpu.sem_alloc : memref<!tpu.dma_semaphore, #tpu.memory_space<semaphore_mem>>
      %dma_start3A_52 = tpu.memref_slice %arg3[%add3A_23] : memref<4096xi32, #tpu.memory_space<hbm>> -> memref<32xi32, #tpu.memory_space<hbm>>
      %dma_start3A_53 = tpu.memref_slice %arg3[%add3A_23] : memref<4096xi32, #tpu.memory_space<hbm>> -> memref<32xi32, #tpu.memory_space<hbm>>
      tpu.enqueue_dma source(%dma_start3A_53 : memref<32xi32, #tpu.memory_space<hbm>>) target(%arg5 : memref<32xi32, #tpu.memory_space<vmem>>) target_semaphore(%run_scoped3A : memref<!tpu.dma_semaphore, #tpu.memory_space<semaphore_mem>>)
      %dma_wait3A_54 = tpu.memref_slice %arg3[%add3A_23] : memref<4096xi32, #tpu.memory_space<hbm>> -> memref<32xi32, #tpu.memory_space<hbm>>
      %dma_wait3A_55 = tpu.memref_slice %arg3[%add3A_23] : memref<4096xi32, #tpu.memory_space<hbm>> -> memref<32xi32, #tpu.memory_space<hbm>>
      tpu.wait_dma2 semaphore(%run_scoped3A : memref<!tpu.dma_semaphore, #tpu.memory_space<semaphore_mem>>) src(%dma_wait3A_55 : memref<32xi32, #tpu.memory_space<hbm>>) dst(%arg5 : memref<32xi32, #tpu.memory_space<vmem>>)
      tpu.yield
    }) : () -> ()
    %add3A_24 = arith.constant 32 : i32
    %add3A_25 = arith.addi %mul3A_13, %add3A_24 : i32
    "tpu.region"() ({
      %run_scoped3A = tpu.sem_alloc : memref<!tpu.dma_semaphore, #tpu.memory_space<semaphore_mem>>
      %dma_start3A_52 = arith.constant 0 : i32
      %dma_start3A_53 = tpu.memref_slice %arg2[%add3A_25, %dma_start3A_52] : memref<2048x1024xf32, #tpu.memory_space<hbm>> -> memref<32x1024xf32, #tpu.memory_space<hbm>>
      %dma_start3A_54 = arith.constant 0 : i32
      %dma_start3A_55 = tpu.memref_slice %arg2[%add3A_25, %dma_start3A_54] : memref<2048x1024xf32, #tpu.memory_space<hbm>> -> memref<32x1024xf32, #tpu.memory_space<hbm>>
      tpu.enqueue_dma source(%dma_start3A_55 : memref<32x1024xf32, #tpu.memory_space<hbm>>) target(%arg6 : memref<32x1024xf32, #tpu.memory_space<vmem>>) target_semaphore(%run_scoped3A : memref<!tpu.dma_semaphore, #tpu.memory_space<semaphore_mem>>)
      %dma_wait3A_56 = arith.constant 0 : i32
      %dma_wait3A_57 = tpu.memref_slice %arg2[%add3A_25, %dma_wait3A_56] : memref<2048x1024xf32, #tpu.memory_space<hbm>> -> memref<32x1024xf32, #tpu.memory_space<hbm>>
      %dma_wait3A_58 = arith.constant 0 : i32
      %dma_wait3A_59 = tpu.memref_slice %arg2[%add3A_25, %dma_wait3A_58] : memref<2048x1024xf32, #tpu.memory_space<hbm>> -> memref<32x1024xf32, #tpu.memory_space<hbm>>
      tpu.wait_dma2 semaphore(%run_scoped3A : memref<!tpu.dma_semaphore, #tpu.memory_space<semaphore_mem>>) src(%dma_wait3A_59 : memref<32x1024xf32, #tpu.memory_space<hbm>>) dst(%arg6 : memref<32x1024xf32, #tpu.memory_space<vmem>>)
      tpu.yield
    }) : () -> ()
    %dma_start3A_26 = arith.constant 0 : i32
    %dma_start3A_27 = arith.constant 0 : i32
    %dma_start3A_28 = tpu.memref_slice %arg4[%dma_start3A_26, %dma_start3A_27] : memref<5120x1024xf32, #tpu.memory_space<hbm>> -> memref<5120x1024xf32, #tpu.memory_space<hbm>>
    tpu.enqueue_indirect_dma source(%arg6 : memref<32x1024xf32, #tpu.memory_space<vmem>>) target(%dma_start3A_28 : memref<5120x1024xf32, #tpu.memory_space<hbm>>) offsets(%arg5 : memref<32xi32, #tpu.memory_space<vmem>>) semaphore(%arg7 : memref<!tpu.dma_semaphore, #tpu.memory_space<semaphore_mem>>)
    %dma_wait3A_29 = arith.constant 0 : i32
    %dma_wait3A_30 = arith.constant 0 : i32
    %dma_wait3A_31 = tpu.memref_slice %arg4[%dma_wait3A_29, %dma_wait3A_30] : memref<5120x1024xf32, #tpu.memory_space<hbm>> -> memref<5120x1024xf32, #tpu.memory_space<hbm>>
    tpu.wait_indirect_dma semaphore(%arg7 : memref<!tpu.dma_semaphore, #tpu.memory_space<semaphore_mem>>) src(%arg6 : memref<32x1024xf32, #tpu.memory_space<vmem>>) dst(%dma_wait3A_31 : memref<5120x1024xf32, #tpu.memory_space<hbm>>)
    %add3A_32 = arith.constant 64 : i32
    %add3A_33 = arith.addi %mul3A_2, %add3A_32 : i32
    "tpu.region"() ({
      %run_scoped3A = tpu.sem_alloc : memref<!tpu.dma_semaphore, #tpu.memory_space<semaphore_mem>>
      %dma_start3A_52 = tpu.memref_slice %arg3[%add3A_33] : memref<4096xi32, #tpu.memory_space<hbm>> -> memref<32xi32, #tpu.memory_space<hbm>>
      %dma_start3A_53 = tpu.memref_slice %arg3[%add3A_33] : memref<4096xi32, #tpu.memory_space<hbm>> -> memref<32xi32, #tpu.memory_space<hbm>>
      tpu.enqueue_dma source(%dma_start3A_53 : memref<32xi32, #tpu.memory_space<hbm>>) target(%arg5 : memref<32xi32, #tpu.memory_space<vmem>>) target_semaphore(%run_scoped3A : memref<!tpu.dma_semaphore, #tpu.memory_space<semaphore_mem>>)
      %dma_wait3A_54 = tpu.memref_slice %arg3[%add3A_33] : memref<4096xi32, #tpu.memory_space<hbm>> -> memref<32xi32, #tpu.memory_space<hbm>>
      %dma_wait3A_55 = tpu.memref_slice %arg3[%add3A_33] : memref<4096xi32, #tpu.memory_space<hbm>> -> memref<32xi32, #tpu.memory_space<hbm>>
      tpu.wait_dma2 semaphore(%run_scoped3A : memref<!tpu.dma_semaphore, #tpu.memory_space<semaphore_mem>>) src(%dma_wait3A_55 : memref<32xi32, #tpu.memory_space<hbm>>) dst(%arg5 : memref<32xi32, #tpu.memory_space<vmem>>)
      tpu.yield
    }) : () -> ()
    %add3A_34 = arith.constant 64 : i32
    %add3A_35 = arith.addi %mul3A_13, %add3A_34 : i32
    "tpu.region"() ({
      %run_scoped3A = tpu.sem_alloc : memref<!tpu.dma_semaphore, #tpu.memory_space<semaphore_mem>>
      %dma_start3A_52 = arith.constant 0 : i32
      %dma_start3A_53 = tpu.memref_slice %arg2[%add3A_35, %dma_start3A_52] : memref<2048x1024xf32, #tpu.memory_space<hbm>> -> memref<32x1024xf32, #tpu.memory_space<hbm>>
      %dma_start3A_54 = arith.constant 0 : i32
      %dma_start3A_55 = tpu.memref_slice %arg2[%add3A_35, %dma_start3A_54] : memref<2048x1024xf32, #tpu.memory_space<hbm>> -> memref<32x1024xf32, #tpu.memory_space<hbm>>
      tpu.enqueue_dma source(%dma_start3A_55 : memref<32x1024xf32, #tpu.memory_space<hbm>>) target(%arg6 : memref<32x1024xf32, #tpu.memory_space<vmem>>) target_semaphore(%run_scoped3A : memref<!tpu.dma_semaphore, #tpu.memory_space<semaphore_mem>>)
      %dma_wait3A_56 = arith.constant 0 : i32
      %dma_wait3A_57 = tpu.memref_slice %arg2[%add3A_35, %dma_wait3A_56] : memref<2048x1024xf32, #tpu.memory_space<hbm>> -> memref<32x1024xf32, #tpu.memory_space<hbm>>
      %dma_wait3A_58 = arith.constant 0 : i32
      %dma_wait3A_59 = tpu.memref_slice %arg2[%add3A_35, %dma_wait3A_58] : memref<2048x1024xf32, #tpu.memory_space<hbm>> -> memref<32x1024xf32, #tpu.memory_space<hbm>>
      tpu.wait_dma2 semaphore(%run_scoped3A : memref<!tpu.dma_semaphore, #tpu.memory_space<semaphore_mem>>) src(%dma_wait3A_59 : memref<32x1024xf32, #tpu.memory_space<hbm>>) dst(%arg6 : memref<32x1024xf32, #tpu.memory_space<vmem>>)
      tpu.yield
    }) : () -> ()
    %dma_start3A_36 = arith.constant 0 : i32
    %dma_start3A_37 = arith.constant 0 : i32
    %dma_start3A_38 = tpu.memref_slice %arg4[%dma_start3A_36, %dma_start3A_37] : memref<5120x1024xf32, #tpu.memory_space<hbm>> -> memref<5120x1024xf32, #tpu.memory_space<hbm>>
    tpu.enqueue_indirect_dma source(%arg6 : memref<32x1024xf32, #tpu.memory_space<vmem>>) target(%dma_start3A_38 : memref<5120x1024xf32, #tpu.memory_space<hbm>>) offsets(%arg5 : memref<32xi32, #tpu.memory_space<vmem>>) semaphore(%arg7 : memref<!tpu.dma_semaphore, #tpu.memory_space<semaphore_mem>>)
    %dma_wait3A_39 = arith.constant 0 : i32
    %dma_wait3A_40 = arith.constant 0 : i32
    %dma_wait3A_41 = tpu.memref_slice %arg4[%dma_wait3A_39, %dma_wait3A_40] : memref<5120x1024xf32, #tpu.memory_space<hbm>> -> memref<5120x1024xf32, #tpu.memory_space<hbm>>
    tpu.wait_indirect_dma semaphore(%arg7 : memref<!tpu.dma_semaphore, #tpu.memory_space<semaphore_mem>>) src(%arg6 : memref<32x1024xf32, #tpu.memory_space<vmem>>) dst(%dma_wait3A_41 : memref<5120x1024xf32, #tpu.memory_space<hbm>>)
    %add3A_42 = arith.constant 96 : i32
    %add3A_43 = arith.addi %mul3A_2, %add3A_42 : i32
    "tpu.region"() ({
      %run_scoped3A = tpu.sem_alloc : memref<!tpu.dma_semaphore, #tpu.memory_space<semaphore_mem>>
      %dma_start3A_52 = tpu.memref_slice %arg3[%add3A_43] : memref<4096xi32, #tpu.memory_space<hbm>> -> memref<32xi32, #tpu.memory_space<hbm>>
      %dma_start3A_53 = tpu.memref_slice %arg3[%add3A_43] : memref<4096xi32, #tpu.memory_space<hbm>> -> memref<32xi32, #tpu.memory_space<hbm>>
      tpu.enqueue_dma source(%dma_start3A_53 : memref<32xi32, #tpu.memory_space<hbm>>) target(%arg5 : memref<32xi32, #tpu.memory_space<vmem>>) target_semaphore(%run_scoped3A : memref<!tpu.dma_semaphore, #tpu.memory_space<semaphore_mem>>)
      %dma_wait3A_54 = tpu.memref_slice %arg3[%add3A_43] : memref<4096xi32, #tpu.memory_space<hbm>> -> memref<32xi32, #tpu.memory_space<hbm>>
      %dma_wait3A_55 = tpu.memref_slice %arg3[%add3A_43] : memref<4096xi32, #tpu.memory_space<hbm>> -> memref<32xi32, #tpu.memory_space<hbm>>
      tpu.wait_dma2 semaphore(%run_scoped3A : memref<!tpu.dma_semaphore, #tpu.memory_space<semaphore_mem>>) src(%dma_wait3A_55 : memref<32xi32, #tpu.memory_space<hbm>>) dst(%arg5 : memref<32xi32, #tpu.memory_space<vmem>>)
      tpu.yield
    }) : () -> ()
    %add3A_44 = arith.constant 96 : i32
    %add3A_45 = arith.addi %mul3A_13, %add3A_44 : i32
    "tpu.region"() ({
      %run_scoped3A = tpu.sem_alloc : memref<!tpu.dma_semaphore, #tpu.memory_space<semaphore_mem>>
      %dma_start3A_52 = arith.constant 0 : i32
      %dma_start3A_53 = tpu.memref_slice %arg2[%add3A_45, %dma_start3A_52] : memref<2048x1024xf32, #tpu.memory_space<hbm>> -> memref<32x1024xf32, #tpu.memory_space<hbm>>
      %dma_start3A_54 = arith.constant 0 : i32
      %dma_start3A_55 = tpu.memref_slice %arg2[%add3A_45, %dma_start3A_54] : memref<2048x1024xf32, #tpu.memory_space<hbm>> -> memref<32x1024xf32, #tpu.memory_space<hbm>>
      tpu.enqueue_dma source(%dma_start3A_55 : memref<32x1024xf32, #tpu.memory_space<hbm>>) target(%arg6 : memref<32x1024xf32, #tpu.memory_space<vmem>>) target_semaphore(%run_scoped3A : memref<!tpu.dma_semaphore, #tpu.memory_space<semaphore_mem>>)
      %dma_wait3A_56 = arith.constant 0 : i32
      %dma_wait3A_57 = tpu.memref_slice %arg2[%add3A_45, %dma_wait3A_56] : memref<2048x1024xf32, #tpu.memory_space<hbm>> -> memref<32x1024xf32, #tpu.memory_space<hbm>>
      %dma_wait3A_58 = arith.constant 0 : i32
      %dma_wait3A_59 = tpu.memref_slice %arg2[%add3A_45, %dma_wait3A_58] : memref<2048x1024xf32, #tpu.memory_space<hbm>> -> memref<32x1024xf32, #tpu.memory_space<hbm>>
      tpu.wait_dma2 semaphore(%run_scoped3A : memref<!tpu.dma_semaphore, #tpu.memory_space<semaphore_mem>>) src(%dma_wait3A_59 : memref<32x1024xf32, #tpu.memory_space<hbm>>) dst(%arg6 : memref<32x1024xf32, #tpu.memory_space<vmem>>)
      tpu.yield
    }) : () -> ()
    %dma_start3A_46 = arith.constant 0 : i32
    %dma_start3A_47 = arith.constant 0 : i32
    %dma_start3A_48 = tpu.memref_slice %arg4[%dma_start3A_46, %dma_start3A_47] : memref<5120x1024xf32, #tpu.memory_space<hbm>> -> memref<5120x1024xf32, #tpu.memory_space<hbm>>
    tpu.enqueue_indirect_dma source(%arg6 : memref<32x1024xf32, #tpu.memory_space<vmem>>) target(%dma_start3A_48 : memref<5120x1024xf32, #tpu.memory_space<hbm>>) offsets(%arg5 : memref<32xi32, #tpu.memory_space<vmem>>) semaphore(%arg7 : memref<!tpu.dma_semaphore, #tpu.memory_space<semaphore_mem>>)
    %dma_wait3A_49 = arith.constant 0 : i32
    %dma_wait3A_50 = arith.constant 0 : i32
    %dma_wait3A_51 = tpu.memref_slice %arg4[%dma_wait3A_49, %dma_wait3A_50] : memref<5120x1024xf32, #tpu.memory_space<hbm>> -> memref<5120x1024xf32, #tpu.memory_space<hbm>>
    tpu.wait_indirect_dma semaphore(%arg7 : memref<!tpu.dma_semaphore, #tpu.memory_space<semaphore_mem>>) src(%arg6 : memref<32x1024xf32, #tpu.memory_space<vmem>>) dst(%dma_wait3A_51 : memref<5120x1024xf32, #tpu.memory_space<hbm>>)
    return
  }
}

module attributes {stable_mosaic.version = 14 : i64} {
  func.func @_gate_route_kernel(%arg0: memref<2048x1024xf32, #tpu.memory_space<vmem>>, %arg1: memref<1024x8xf32, #tpu.memory_space<vmem>>, %arg2: memref<1x8xf32, #tpu.memory_space<vmem>>, %arg3: memref<1x8xf32, #tpu.memory_space<vmem>>, %arg4: memref<4096x1xi32, #tpu.memory_space<vmem>>, %arg5: memref<4096x16xf32, #tpu.memory_space<vmem>>, %arg6: memref<64x1xi32, #tpu.memory_space<vmem>>, %arg7: memref<4096x8xf32, #tpu.memory_space<vmem>>, %arg8: memref<4096x8xf32, #tpu.memory_space<vmem>>) attributes {dimension_semantics = [], scalar_prefetch = 0 : i64, scratch_operands = 2 : i64, tpu.core_type = #tpu.core_type<tc>} {
    %get3A = arith.constant 0 : index
    %get3A_0 = arith.constant 0 : index
    %get3A_1 = vector.load %arg0[%get3A, %get3A_0] : memref<2048x1024xf32, #tpu.memory_space<vmem>>, vector<2048x1024xf32>
    %get3A_2 = arith.constant 0 : index
    %get3A_3 = arith.constant 0 : index
    %get3A_4 = vector.load %arg1[%get3A_2, %get3A_3] : memref<1024x8xf32, #tpu.memory_space<vmem>>, vector<1024x8xf32>
    %dot_general3A = arith.constant dense<0.000000e+00> : vector<2048x8xf32>
    %dot_general3A_5 = tpu.matmul %get3A_1, %get3A_4, %dot_general3A {dimension_numbers = #tpu.dot_dimension_numbers<[1], [0], [0], [1], [0, 0, 1, 1], [], []>, transpose_lhs_hint = false} : vector<2048x1024xf32>, vector<1024x8xf32>, vector<2048x8xf32> -> vector<2048x8xf32>
    %get3A_6 = arith.constant 0 : index
    %get3A_7 = arith.constant 0 : index
    %get3A_8 = vector.load %arg2[%get3A_6, %get3A_7] : memref<1x8xf32, #tpu.memory_space<vmem>>, vector<1x8xf32>
    %add3A = vector.broadcast %get3A_8 : vector<1x8xf32> to vector<2048x8xf32>
    %add3A_9 = arith.addf %dot_general3A_5, %add3A : vector<2048x8xf32>
    %get3A_10 = arith.constant 0 : index
    %get3A_11 = arith.constant 0 : index
    %get3A_12 = vector.load %arg3[%get3A_10, %get3A_11] : memref<1x8xf32, #tpu.memory_space<vmem>>, vector<1x8xf32>
    %add3A_13 = vector.broadcast %get3A_12 : vector<1x8xf32> to vector<2048x8xf32>
    %add3A_14 = arith.addf %add3A_9, %add3A_13 : vector<2048x8xf32>
    %iota3A = tpu.iota {dimensions = array<i32: 1>} : vector<2048x8xi32>
    %reduce_max3A = arith.constant dense<0xFF800000> : vector<2048xf32>
    %reduce_max3A_15 = vector.multi_reduction <maximumf>, %add3A_14, %reduce_max3A [1] : vector<2048x8xf32> to vector<2048xf32>
    %broadcast_in_dim3A = vector.shape_cast %reduce_max3A_15 : vector<2048xf32> to vector<2048x1xf32>
    %eq3A = vector.broadcast %broadcast_in_dim3A : vector<2048x1xf32> to vector<2048x8xf32>
    %eq3A_16 = arith.cmpf oeq, %add3A_14, %eq3A : vector<2048x8xf32>
    %jit3A = arith.constant 8 : i32
    %broadcast_in_dim3A_17 = vector.broadcast %jit3A : i32 to vector<2048x8xi32>
    %select_n3A = arith.select %eq3A_16, %iota3A, %broadcast_in_dim3A_17 : vector<2048x8xi1>, vector<2048x8xi32>
    %reduce_min3A = arith.constant dense<2147483647> : vector<2048xi32>
    %reduce_min3A_18 = vector.multi_reduction <minsi>, %select_n3A, %reduce_min3A [1] : vector<2048x8xi32> to vector<2048xi32>
    %broadcast_in_dim3A_19 = vector.shape_cast %reduce_min3A_18 : vector<2048xi32> to vector<2048x1xi32>
    %eq3A_20 = vector.broadcast %broadcast_in_dim3A_19 : vector<2048x1xi32> to vector<2048x8xi32>
    %eq3A_21 = arith.cmpi eq, %iota3A, %eq3A_20 : vector<2048x8xi32>
    %jit3A_22 = arith.constant 0xFF800000 : f32
    %broadcast_in_dim3A_23 = vector.broadcast %jit3A_22 : f32 to vector<2048x8xf32>
    %select_n3A_24 = arith.select %eq3A_21, %broadcast_in_dim3A_23, %add3A_14 : vector<2048x8xi1>, vector<2048x8xf32>
    %reduce_max3A_25 = arith.constant dense<0xFF800000> : vector<2048xf32>
    %reduce_max3A_26 = vector.multi_reduction <maximumf>, %select_n3A_24, %reduce_max3A_25 [1] : vector<2048x8xf32> to vector<2048xf32>
    %broadcast_in_dim3A_27 = vector.shape_cast %reduce_max3A_26 : vector<2048xf32> to vector<2048x1xf32>
    %eq3A_28 = vector.broadcast %broadcast_in_dim3A_27 : vector<2048x1xf32> to vector<2048x8xf32>
    %eq3A_29 = arith.cmpf oeq, %select_n3A_24, %eq3A_28 : vector<2048x8xf32>
    %jit3A_30 = arith.constant 8 : i32
    %broadcast_in_dim3A_31 = vector.broadcast %jit3A_30 : i32 to vector<2048x8xi32>
    %select_n3A_32 = arith.select %eq3A_29, %iota3A, %broadcast_in_dim3A_31 : vector<2048x8xi1>, vector<2048x8xi32>
    %reduce_min3A_33 = arith.constant dense<2147483647> : vector<2048xi32>
    %reduce_min3A_34 = vector.multi_reduction <minsi>, %select_n3A_32, %reduce_min3A_33 [1] : vector<2048x8xi32> to vector<2048xi32>
    %broadcast_in_dim3A_35 = vector.shape_cast %reduce_min3A_34 : vector<2048xi32> to vector<2048x1xi32>
    %logistic3A = arith.negf %broadcast_in_dim3A : vector<2048x1xf32>
    %logistic3A_36 = math.exp %logistic3A : vector<2048x1xf32>
    %logistic3A_37 = arith.constant 1.000000e+00 : f32
    %logistic3A_38 = vector.broadcast %logistic3A_37 : f32 to vector<2048x1xf32>
    %logistic3A_39 = arith.addf %logistic3A_38, %logistic3A_36 : vector<2048x1xf32>
    %logistic3A_40 = arith.divf %logistic3A_38, %logistic3A_39 : vector<2048x1xf32>
    %logistic3A_41 = arith.negf %broadcast_in_dim3A_27 : vector<2048x1xf32>
    %logistic3A_42 = math.exp %logistic3A_41 : vector<2048x1xf32>
    %logistic3A_43 = arith.constant 1.000000e+00 : f32
    %logistic3A_44 = vector.broadcast %logistic3A_43 : f32 to vector<2048x1xf32>
    %logistic3A_45 = arith.addf %logistic3A_44, %logistic3A_42 : vector<2048x1xf32>
    %logistic3A_46 = arith.divf %logistic3A_44, %logistic3A_45 : vector<2048x1xf32>
    %add3A_47 = arith.addf %logistic3A_40, %logistic3A_46 : vector<2048x1xf32>
    %eq3A_48 = vector.broadcast %broadcast_in_dim3A_19 : vector<2048x1xi32> to vector<2048x8xi32>
    %eq3A_49 = arith.cmpi eq, %iota3A, %eq3A_48 : vector<2048x8xi32>
    %convert_element_type3A = arith.extui %eq3A_49 : vector<2048x8xi1> to vector<2048x8xi32>
    %convert_element_type3A_50 = arith.sitofp %convert_element_type3A : vector<2048x8xi32> to vector<2048x8xf32>
    %swap3A = arith.constant 0 : index
    %swap3A_51 = arith.constant 0 : index
    %swap3A_52 = vector.load %arg7[%swap3A, %swap3A_51] : memref<4096x8xf32, #tpu.memory_space<vmem>>, vector<2048x8xf32>
    tpu.vector_store %arg7[%swap3A, %swap3A_51], %convert_element_type3A_50 {strides = array<i32>} : memref<4096x8xf32, #tpu.memory_space<vmem>>, vector<2048x8xf32>,
    %eq3A_53 = vector.broadcast %broadcast_in_dim3A_35 : vector<2048x1xi32> to vector<2048x8xi32>
    %eq3A_54 = arith.cmpi eq, %iota3A, %eq3A_53 : vector<2048x8xi32>
    %convert_element_type3A_55 = arith.extui %eq3A_54 : vector<2048x8xi1> to vector<2048x8xi32>
    %convert_element_type3A_56 = arith.sitofp %convert_element_type3A_55 : vector<2048x8xi32> to vector<2048x8xf32>
    %swap3A_57 = arith.constant 2048 : index
    %swap3A_58 = arith.constant 0 : index
    %swap3A_59 = vector.load %arg7[%swap3A_57, %swap3A_58] : memref<4096x8xf32, #tpu.memory_space<vmem>>, vector<2048x8xf32>
    tpu.vector_store %arg7[%swap3A_57, %swap3A_58], %convert_element_type3A_56 {strides = array<i32>} : memref<4096x8xf32, #tpu.memory_space<vmem>>, vector<2048x8xf32>,
    %div3A = arith.divf %logistic3A_40, %add3A_47 : vector<2048x1xf32>
    %broadcast_in_dim3A_60 = vector.shape_cast %div3A : vector<2048x1xf32> to vector<2048x1xf32>
    %broadcast_in_dim3A_61 = vector.broadcast %broadcast_in_dim3A_60 : vector<2048x1xf32> to vector<2048x16xf32>
    %swap3A_62 = arith.constant 0 : index
    %swap3A_63 = arith.constant 0 : index
    %swap3A_64 = vector.load %arg5[%swap3A_62, %swap3A_63] : memref<4096x16xf32, #tpu.memory_space<vmem>>, vector<2048x16xf32>
    tpu.vector_store %arg5[%swap3A_62, %swap3A_63], %broadcast_in_dim3A_61 {strides = array<i32>} : memref<4096x16xf32, #tpu.memory_space<vmem>>, vector<2048x16xf32>,
    %div3A_65 = arith.divf %logistic3A_46, %add3A_47 : vector<2048x1xf32>
    %broadcast_in_dim3A_66 = vector.shape_cast %div3A_65 : vector<2048x1xf32> to vector<2048x1xf32>
    %broadcast_in_dim3A_67 = vector.broadcast %broadcast_in_dim3A_66 : vector<2048x1xf32> to vector<2048x16xf32>
    %swap3A_68 = arith.constant 2048 : index
    %swap3A_69 = arith.constant 0 : index
    %swap3A_70 = vector.load %arg5[%swap3A_68, %swap3A_69] : memref<4096x16xf32, #tpu.memory_space<vmem>>, vector<2048x16xf32>
    tpu.vector_store %arg5[%swap3A_68, %swap3A_69], %broadcast_in_dim3A_67 {strides = array<i32>} : memref<4096x16xf32, #tpu.memory_space<vmem>>, vector<2048x16xf32>,
    %iota3A_71 = tpu.iota {dimensions = array<i32: 0>} : vector<256x256xi32>
    %iota3A_72 = tpu.iota {dimensions = array<i32: 1>} : vector<256x256xi32>
    %ge3A = arith.cmpi sge, %iota3A_71, %iota3A_72 : vector<256x256xi32>
    %convert_element_type3A_73 = arith.extui %ge3A : vector<256x256xi1> to vector<256x256xi32>
    %convert_element_type3A_74 = arith.sitofp %convert_element_type3A_73 : vector<256x256xi32> to vector<256x256xf32>
    %broadcast_in_dim3A_75 = arith.constant 0.000000e+00 : f32
    %broadcast_in_dim3A_76 = vector.broadcast %broadcast_in_dim3A_75 : f32 to vector<1x8xf32>
    %get3A_77 = arith.constant 0 : index
    %get3A_78 = arith.constant 0 : index
    %get3A_79 = vector.load %arg7[%get3A_77, %get3A_78] : memref<4096x8xf32, #tpu.memory_space<vmem>>, vector<256x8xf32>
    %dot_general3A_80 = arith.constant dense<0.000000e+00> : vector<256x8xf32>
    %dot_general3A_81 = tpu.matmul %convert_element_type3A_74, %get3A_79, %dot_general3A_80 {dimension_numbers = #tpu.dot_dimension_numbers<[1], [0], [0], [1], [0, 0, 1, 1], [], []>, transpose_lhs_hint = false} : vector<256x256xf32>, vector<256x8xf32>, vector<256x8xf32> -> vector<256x8xf32>
    %sub3A = arith.subf %dot_general3A_81, %get3A_79 : vector<256x8xf32>
    %add3A_82 = vector.broadcast %broadcast_in_dim3A_76 : vector<1x8xf32> to vector<256x8xf32>
    %add3A_83 = arith.addf %sub3A, %add3A_82 : vector<256x8xf32>
    %swap3A_84 = arith.constant 0 : index
    %swap3A_85 = arith.constant 0 : index
    %swap3A_86 = vector.load %arg8[%swap3A_84, %swap3A_85] : memref<4096x8xf32, #tpu.memory_space<vmem>>, vector<256x8xf32>
    tpu.vector_store %arg8[%swap3A_84, %swap3A_85], %add3A_83 {strides = array<i32>} : memref<4096x8xf32, #tpu.memory_space<vmem>>, vector<256x8xf32>,
    %reduce_sum3A = arith.constant dense<0.000000e+00> : vector<8xf32>
    %reduce_sum3A_87 = vector.multi_reduction <add>, %get3A_79, %reduce_sum3A [0] : vector<256x8xf32> to vector<8xf32>
    %broadcast_in_dim3A_88 = vector.shape_cast %reduce_sum3A_87 : vector<8xf32> to vector<1x8xf32>
    %add3A_89 = arith.addf %broadcast_in_dim3A_76, %broadcast_in_dim3A_88 : vector<1x8xf32>
    %get3A_90 = arith.constant 256 : index
    %get3A_91 = arith.constant 0 : index
    %get3A_92 = vector.load %arg7[%get3A_90, %get3A_91] : memref<4096x8xf32, #tpu.memory_space<vmem>>, vector<256x8xf32>
    %dot_general3A_93 = arith.constant dense<0.000000e+00> : vector<256x8xf32>
    %dot_general3A_94 = tpu.matmul %convert_element_type3A_74, %get3A_92, %dot_general3A_93 {dimension_numbers = #tpu.dot_dimension_numbers<[1], [0], [0], [1], [0, 0, 1, 1], [], []>, transpose_lhs_hint = false} : vector<256x256xf32>, vector<256x8xf32>, vector<256x8xf32> -> vector<256x8xf32>
    %sub3A_95 = arith.subf %dot_general3A_94, %get3A_92 : vector<256x8xf32>
    %add3A_96 = vector.broadcast %add3A_89 : vector<1x8xf32> to vector<256x8xf32>
    %add3A_97 = arith.addf %sub3A_95, %add3A_96 : vector<256x8xf32>
    %swap3A_98 = arith.constant 256 : index
    %swap3A_99 = arith.constant 0 : index
    %swap3A_100 = vector.load %arg8[%swap3A_98, %swap3A_99] : memref<4096x8xf32, #tpu.memory_space<vmem>>, vector<256x8xf32>
    tpu.vector_store %arg8[%swap3A_98, %swap3A_99], %add3A_97 {strides = array<i32>} : memref<4096x8xf32, #tpu.memory_space<vmem>>, vector<256x8xf32>,
    %reduce_sum3A_101 = arith.constant dense<0.000000e+00> : vector<8xf32>
    %reduce_sum3A_102 = vector.multi_reduction <add>, %get3A_92, %reduce_sum3A_101 [0] : vector<256x8xf32> to vector<8xf32>
    %broadcast_in_dim3A_103 = vector.shape_cast %reduce_sum3A_102 : vector<8xf32> to vector<1x8xf32>
    %add3A_104 = arith.addf %add3A_89, %broadcast_in_dim3A_103 : vector<1x8xf32>
    %get3A_105 = arith.constant 512 : index
    %get3A_106 = arith.constant 0 : index
    %get3A_107 = vector.load %arg7[%get3A_105, %get3A_106] : memref<4096x8xf32, #tpu.memory_space<vmem>>, vector<256x8xf32>
    %dot_general3A_108 = arith.constant dense<0.000000e+00> : vector<256x8xf32>
    %dot_general3A_109 = tpu.matmul %convert_element_type3A_74, %get3A_107, %dot_general3A_108 {dimension_numbers = #tpu.dot_dimension_numbers<[1], [0], [0], [1], [0, 0, 1, 1], [], []>, transpose_lhs_hint = false} : vector<256x256xf32>, vector<256x8xf32>, vector<256x8xf32> -> vector<256x8xf32>
    %sub3A_110 = arith.subf %dot_general3A_109, %get3A_107 : vector<256x8xf32>
    %add3A_111 = vector.broadcast %add3A_104 : vector<1x8xf32> to vector<256x8xf32>
    %add3A_112 = arith.addf %sub3A_110, %add3A_111 : vector<256x8xf32>
    %swap3A_113 = arith.constant 512 : index
    %swap3A_114 = arith.constant 0 : index
    %swap3A_115 = vector.load %arg8[%swap3A_113, %swap3A_114] : memref<4096x8xf32, #tpu.memory_space<vmem>>, vector<256x8xf32>
    tpu.vector_store %arg8[%swap3A_113, %swap3A_114], %add3A_112 {strides = array<i32>} : memref<4096x8xf32, #tpu.memory_space<vmem>>, vector<256x8xf32>,
    %reduce_sum3A_116 = arith.constant dense<0.000000e+00> : vector<8xf32>
    %reduce_sum3A_117 = vector.multi_reduction <add>, %get3A_107, %reduce_sum3A_116 [0] : vector<256x8xf32> to vector<8xf32>
    %broadcast_in_dim3A_118 = vector.shape_cast %reduce_sum3A_117 : vector<8xf32> to vector<1x8xf32>
    %add3A_119 = arith.addf %add3A_104, %broadcast_in_dim3A_118 : vector<1x8xf32>
    %get3A_120 = arith.constant 768 : index
    %get3A_121 = arith.constant 0 : index
    %get3A_122 = vector.load %arg7[%get3A_120, %get3A_121] : memref<4096x8xf32, #tpu.memory_space<vmem>>, vector<256x8xf32>
    %dot_general3A_123 = arith.constant dense<0.000000e+00> : vector<256x8xf32>
    %dot_general3A_124 = tpu.matmul %convert_element_type3A_74, %get3A_122, %dot_general3A_123 {dimension_numbers = #tpu.dot_dimension_numbers<[1], [0], [0], [1], [0, 0, 1, 1], [], []>, transpose_lhs_hint = false} : vector<256x256xf32>, vector<256x8xf32>, vector<256x8xf32> -> vector<256x8xf32>
    %sub3A_125 = arith.subf %dot_general3A_124, %get3A_122 : vector<256x8xf32>
    %add3A_126 = vector.broadcast %add3A_119 : vector<1x8xf32> to vector<256x8xf32>
    %add3A_127 = arith.addf %sub3A_125, %add3A_126 : vector<256x8xf32>
    %swap3A_128 = arith.constant 768 : index
    %swap3A_129 = arith.constant 0 : index
    %swap3A_130 = vector.load %arg8[%swap3A_128, %swap3A_129] : memref<4096x8xf32, #tpu.memory_space<vmem>>, vector<256x8xf32>
    tpu.vector_store %arg8[%swap3A_128, %swap3A_129], %add3A_127 {strides = array<i32>} : memref<4096x8xf32, #tpu.memory_space<vmem>>, vector<256x8xf32>,
    %reduce_sum3A_131 = arith.constant dense<0.000000e+00> : vector<8xf32>
    %reduce_sum3A_132 = vector.multi_reduction <add>, %get3A_122, %reduce_sum3A_131 [0] : vector<256x8xf32> to vector<8xf32>
    %broadcast_in_dim3A_133 = vector.shape_cast %reduce_sum3A_132 : vector<8xf32> to vector<1x8xf32>
    %add3A_134 = arith.addf %add3A_119, %broadcast_in_dim3A_133 : vector<1x8xf32>
    %get3A_135 = arith.constant 1024 : index
    %get3A_136 = arith.constant 0 : index
    %get3A_137 = vector.load %arg7[%get3A_135, %get3A_136] : memref<4096x8xf32, #tpu.memory_space<vmem>>, vector<256x8xf32>
    %dot_general3A_138 = arith.constant dense<0.000000e+00> : vector<256x8xf32>
    %dot_general3A_139 = tpu.matmul %convert_element_type3A_74, %get3A_137, %dot_general3A_138 {dimension_numbers = #tpu.dot_dimension_numbers<[1], [0], [0], [1], [0, 0, 1, 1], [], []>, transpose_lhs_hint = false} : vector<256x256xf32>, vector<256x8xf32>, vector<256x8xf32> -> vector<256x8xf32>
    %sub3A_140 = arith.subf %dot_general3A_139, %get3A_137 : vector<256x8xf32>
    %add3A_141 = vector.broadcast %add3A_134 : vector<1x8xf32> to vector<256x8xf32>
    %add3A_142 = arith.addf %sub3A_140, %add3A_141 : vector<256x8xf32>
    %swap3A_143 = arith.constant 1024 : index
    %swap3A_144 = arith.constant 0 : index
    %swap3A_145 = vector.load %arg8[%swap3A_143, %swap3A_144] : memref<4096x8xf32, #tpu.memory_space<vmem>>, vector<256x8xf32>
    tpu.vector_store %arg8[%swap3A_143, %swap3A_144], %add3A_142 {strides = array<i32>} : memref<4096x8xf32, #tpu.memory_space<vmem>>, vector<256x8xf32>,
    %reduce_sum3A_146 = arith.constant dense<0.000000e+00> : vector<8xf32>
    %reduce_sum3A_147 = vector.multi_reduction <add>, %get3A_137, %reduce_sum3A_146 [0] : vector<256x8xf32> to vector<8xf32>
    %broadcast_in_dim3A_148 = vector.shape_cast %reduce_sum3A_147 : vector<8xf32> to vector<1x8xf32>
    %add3A_149 = arith.addf %add3A_134, %broadcast_in_dim3A_148 : vector<1x8xf32>
    %get3A_150 = arith.constant 1280 : index
    %get3A_151 = arith.constant 0 : index
    %get3A_152 = vector.load %arg7[%get3A_150, %get3A_151] : memref<4096x8xf32, #tpu.memory_space<vmem>>, vector<256x8xf32>
    %dot_general3A_153 = arith.constant dense<0.000000e+00> : vector<256x8xf32>
    %dot_general3A_154 = tpu.matmul %convert_element_type3A_74, %get3A_152, %dot_general3A_153 {dimension_numbers = #tpu.dot_dimension_numbers<[1], [0], [0], [1], [0, 0, 1, 1], [], []>, transpose_lhs_hint = false} : vector<256x256xf32>, vector<256x8xf32>, vector<256x8xf32> -> vector<256x8xf32>
    %sub3A_155 = arith.subf %dot_general3A_154, %get3A_152 : vector<256x8xf32>
    %add3A_156 = vector.broadcast %add3A_149 : vector<1x8xf32> to vector<256x8xf32>
    %add3A_157 = arith.addf %sub3A_155, %add3A_156 : vector<256x8xf32>
    %swap3A_158 = arith.constant 1280 : index
    %swap3A_159 = arith.constant 0 : index
    %swap3A_160 = vector.load %arg8[%swap3A_158, %swap3A_159] : memref<4096x8xf32, #tpu.memory_space<vmem>>, vector<256x8xf32>
    tpu.vector_store %arg8[%swap3A_158, %swap3A_159], %add3A_157 {strides = array<i32>} : memref<4096x8xf32, #tpu.memory_space<vmem>>, vector<256x8xf32>,
    %reduce_sum3A_161 = arith.constant dense<0.000000e+00> : vector<8xf32>
    %reduce_sum3A_162 = vector.multi_reduction <add>, %get3A_152, %reduce_sum3A_161 [0] : vector<256x8xf32> to vector<8xf32>
    %broadcast_in_dim3A_163 = vector.shape_cast %reduce_sum3A_162 : vector<8xf32> to vector<1x8xf32>
    %add3A_164 = arith.addf %add3A_149, %broadcast_in_dim3A_163 : vector<1x8xf32>
    %get3A_165 = arith.constant 1536 : index
    %get3A_166 = arith.constant 0 : index
    %get3A_167 = vector.load %arg7[%get3A_165, %get3A_166] : memref<4096x8xf32, #tpu.memory_space<vmem>>, vector<256x8xf32>
    %dot_general3A_168 = arith.constant dense<0.000000e+00> : vector<256x8xf32>
    %dot_general3A_169 = tpu.matmul %convert_element_type3A_74, %get3A_167, %dot_general3A_168 {dimension_numbers = #tpu.dot_dimension_numbers<[1], [0], [0], [1], [0, 0, 1, 1], [], []>, transpose_lhs_hint = false} : vector<256x256xf32>, vector<256x8xf32>, vector<256x8xf32> -> vector<256x8xf32>
    %sub3A_170 = arith.subf %dot_general3A_169, %get3A_167 : vector<256x8xf32>
    %add3A_171 = vector.broadcast %add3A_164 : vector<1x8xf32> to vector<256x8xf32>
    %add3A_172 = arith.addf %sub3A_170, %add3A_171 : vector<256x8xf32>
    %swap3A_173 = arith.constant 1536 : index
    %swap3A_174 = arith.constant 0 : index
    %swap3A_175 = vector.load %arg8[%swap3A_173, %swap3A_174] : memref<4096x8xf32, #tpu.memory_space<vmem>>, vector<256x8xf32>
    tpu.vector_store %arg8[%swap3A_173, %swap3A_174], %add3A_172 {strides = array<i32>} : memref<4096x8xf32, #tpu.memory_space<vmem>>, vector<256x8xf32>,
    %reduce_sum3A_176 = arith.constant dense<0.000000e+00> : vector<8xf32>
    %reduce_sum3A_177 = vector.multi_reduction <add>, %get3A_167, %reduce_sum3A_176 [0] : vector<256x8xf32> to vector<8xf32>
    %broadcast_in_dim3A_178 = vector.shape_cast %reduce_sum3A_177 : vector<8xf32> to vector<1x8xf32>
    %add3A_179 = arith.addf %add3A_164, %broadcast_in_dim3A_178 : vector<1x8xf32>
    %get3A_180 = arith.constant 1792 : index
    %get3A_181 = arith.constant 0 : index
    %get3A_182 = vector.load %arg7[%get3A_180, %get3A_181] : memref<4096x8xf32, #tpu.memory_space<vmem>>, vector<256x8xf32>
    %dot_general3A_183 = arith.constant dense<0.000000e+00> : vector<256x8xf32>
    %dot_general3A_184 = tpu.matmul %convert_element_type3A_74, %get3A_182, %dot_general3A_183 {dimension_numbers = #tpu.dot_dimension_numbers<[1], [0], [0], [1], [0, 0, 1, 1], [], []>, transpose_lhs_hint = false} : vector<256x256xf32>, vector<256x8xf32>, vector<256x8xf32> -> vector<256x8xf32>
    %sub3A_185 = arith.subf %dot_general3A_184, %get3A_182 : vector<256x8xf32>
    %add3A_186 = vector.broadcast %add3A_179 : vector<1x8xf32> to vector<256x8xf32>
    %add3A_187 = arith.addf %sub3A_185, %add3A_186 : vector<256x8xf32>
    %swap3A_188 = arith.constant 1792 : index
    %swap3A_189 = arith.constant 0 : index
    %swap3A_190 = vector.load %arg8[%swap3A_188, %swap3A_189] : memref<4096x8xf32, #tpu.memory_space<vmem>>, vector<256x8xf32>
    tpu.vector_store %arg8[%swap3A_188, %swap3A_189], %add3A_187 {strides = array<i32>} : memref<4096x8xf32, #tpu.memory_space<vmem>>, vector<256x8xf32>,
    %reduce_sum3A_191 = arith.constant dense<0.000000e+00> : vector<8xf32>
    %reduce_sum3A_192 = vector.multi_reduction <add>, %get3A_182, %reduce_sum3A_191 [0] : vector<256x8xf32> to vector<8xf32>
    %broadcast_in_dim3A_193 = vector.shape_cast %reduce_sum3A_192 : vector<8xf32> to vector<1x8xf32>
    %add3A_194 = arith.addf %add3A_179, %broadcast_in_dim3A_193 : vector<1x8xf32>
    %get3A_195 = arith.constant 2048 : index
    %get3A_196 = arith.constant 0 : index
    %get3A_197 = vector.load %arg7[%get3A_195, %get3A_196] : memref<4096x8xf32, #tpu.memory_space<vmem>>, vector<256x8xf32>
    %dot_general3A_198 = arith.constant dense<0.000000e+00> : vector<256x8xf32>
    %dot_general3A_199 = tpu.matmul %convert_element_type3A_74, %get3A_197, %dot_general3A_198 {dimension_numbers = #tpu.dot_dimension_numbers<[1], [0], [0], [1], [0, 0, 1, 1], [], []>, transpose_lhs_hint = false} : vector<256x256xf32>, vector<256x8xf32>, vector<256x8xf32> -> vector<256x8xf32>
    %sub3A_200 = arith.subf %dot_general3A_199, %get3A_197 : vector<256x8xf32>
    %add3A_201 = vector.broadcast %add3A_194 : vector<1x8xf32> to vector<256x8xf32>
    %add3A_202 = arith.addf %sub3A_200, %add3A_201 : vector<256x8xf32>
    %swap3A_203 = arith.constant 2048 : index
    %swap3A_204 = arith.constant 0 : index
    %swap3A_205 = vector.load %arg8[%swap3A_203, %swap3A_204] : memref<4096x8xf32, #tpu.memory_space<vmem>>, vector<256x8xf32>
    tpu.vector_store %arg8[%swap3A_203, %swap3A_204], %add3A_202 {strides = array<i32>} : memref<4096x8xf32, #tpu.memory_space<vmem>>, vector<256x8xf32>,
    %reduce_sum3A_206 = arith.constant dense<0.000000e+00> : vector<8xf32>
    %reduce_sum3A_207 = vector.multi_reduction <add>, %get3A_197, %reduce_sum3A_206 [0] : vector<256x8xf32> to vector<8xf32>
    %broadcast_in_dim3A_208 = vector.shape_cast %reduce_sum3A_207 : vector<8xf32> to vector<1x8xf32>
    %add3A_209 = arith.addf %add3A_194, %broadcast_in_dim3A_208 : vector<1x8xf32>
    %get3A_210 = arith.constant 2304 : index
    %get3A_211 = arith.constant 0 : index
    %get3A_212 = vector.load %arg7[%get3A_210, %get3A_211] : memref<4096x8xf32, #tpu.memory_space<vmem>>, vector<256x8xf32>
    %dot_general3A_213 = arith.constant dense<0.000000e+00> : vector<256x8xf32>
    %dot_general3A_214 = tpu.matmul %convert_element_type3A_74, %get3A_212, %dot_general3A_213 {dimension_numbers = #tpu.dot_dimension_numbers<[1], [0], [0], [1], [0, 0, 1, 1], [], []>, transpose_lhs_hint = false} : vector<256x256xf32>, vector<256x8xf32>, vector<256x8xf32> -> vector<256x8xf32>
    %sub3A_215 = arith.subf %dot_general3A_214, %get3A_212 : vector<256x8xf32>
    %add3A_216 = vector.broadcast %add3A_209 : vector<1x8xf32> to vector<256x8xf32>
    %add3A_217 = arith.addf %sub3A_215, %add3A_216 : vector<256x8xf32>
    %swap3A_218 = arith.constant 2304 : index
    %swap3A_219 = arith.constant 0 : index
    %swap3A_220 = vector.load %arg8[%swap3A_218, %swap3A_219] : memref<4096x8xf32, #tpu.memory_space<vmem>>, vector<256x8xf32>
    tpu.vector_store %arg8[%swap3A_218, %swap3A_219], %add3A_217 {strides = array<i32>} : memref<4096x8xf32, #tpu.memory_space<vmem>>, vector<256x8xf32>,
    %reduce_sum3A_221 = arith.constant dense<0.000000e+00> : vector<8xf32>
    %reduce_sum3A_222 = vector.multi_reduction <add>, %get3A_212, %reduce_sum3A_221 [0] : vector<256x8xf32> to vector<8xf32>
    %broadcast_in_dim3A_223 = vector.shape_cast %reduce_sum3A_222 : vector<8xf32> to vector<1x8xf32>
    %add3A_224 = arith.addf %add3A_209, %broadcast_in_dim3A_223 : vector<1x8xf32>
    %get3A_225 = arith.constant 2560 : index
    %get3A_226 = arith.constant 0 : index
    %get3A_227 = vector.load %arg7[%get3A_225, %get3A_226] : memref<4096x8xf32, #tpu.memory_space<vmem>>, vector<256x8xf32>
    %dot_general3A_228 = arith.constant dense<0.000000e+00> : vector<256x8xf32>
    %dot_general3A_229 = tpu.matmul %convert_element_type3A_74, %get3A_227, %dot_general3A_228 {dimension_numbers = #tpu.dot_dimension_numbers<[1], [0], [0], [1], [0, 0, 1, 1], [], []>, transpose_lhs_hint = false} : vector<256x256xf32>, vector<256x8xf32>, vector<256x8xf32> -> vector<256x8xf32>
    %sub3A_230 = arith.subf %dot_general3A_229, %get3A_227 : vector<256x8xf32>
    %add3A_231 = vector.broadcast %add3A_224 : vector<1x8xf32> to vector<256x8xf32>
    %add3A_232 = arith.addf %sub3A_230, %add3A_231 : vector<256x8xf32>
    %swap3A_233 = arith.constant 2560 : index
    %swap3A_234 = arith.constant 0 : index
    %swap3A_235 = vector.load %arg8[%swap3A_233, %swap3A_234] : memref<4096x8xf32, #tpu.memory_space<vmem>>, vector<256x8xf32>
    tpu.vector_store %arg8[%swap3A_233, %swap3A_234], %add3A_232 {strides = array<i32>} : memref<4096x8xf32, #tpu.memory_space<vmem>>, vector<256x8xf32>,
    %reduce_sum3A_236 = arith.constant dense<0.000000e+00> : vector<8xf32>
    %reduce_sum3A_237 = vector.multi_reduction <add>, %get3A_227, %reduce_sum3A_236 [0] : vector<256x8xf32> to vector<8xf32>
    %broadcast_in_dim3A_238 = vector.shape_cast %reduce_sum3A_237 : vector<8xf32> to vector<1x8xf32>
    %add3A_239 = arith.addf %add3A_224, %broadcast_in_dim3A_238 : vector<1x8xf32>
    %get3A_240 = arith.constant 2816 : index
    %get3A_241 = arith.constant 0 : index
    %get3A_242 = vector.load %arg7[%get3A_240, %get3A_241] : memref<4096x8xf32, #tpu.memory_space<vmem>>, vector<256x8xf32>
    %dot_general3A_243 = arith.constant dense<0.000000e+00> : vector<256x8xf32>
    %dot_general3A_244 = tpu.matmul %convert_element_type3A_74, %get3A_242, %dot_general3A_243 {dimension_numbers = #tpu.dot_dimension_numbers<[1], [0], [0], [1], [0, 0, 1, 1], [], []>, transpose_lhs_hint = false} : vector<256x256xf32>, vector<256x8xf32>, vector<256x8xf32> -> vector<256x8xf32>
    %sub3A_245 = arith.subf %dot_general3A_244, %get3A_242 : vector<256x8xf32>
    %add3A_246 = vector.broadcast %add3A_239 : vector<1x8xf32> to vector<256x8xf32>
    %add3A_247 = arith.addf %sub3A_245, %add3A_246 : vector<256x8xf32>
    %swap3A_248 = arith.constant 2816 : index
    %swap3A_249 = arith.constant 0 : index
    %swap3A_250 = vector.load %arg8[%swap3A_248, %swap3A_249] : memref<4096x8xf32, #tpu.memory_space<vmem>>, vector<256x8xf32>
    tpu.vector_store %arg8[%swap3A_248, %swap3A_249], %add3A_247 {strides = array<i32>} : memref<4096x8xf32, #tpu.memory_space<vmem>>, vector<256x8xf32>,
    %reduce_sum3A_251 = arith.constant dense<0.000000e+00> : vector<8xf32>
    %reduce_sum3A_252 = vector.multi_reduction <add>, %get3A_242, %reduce_sum3A_251 [0] : vector<256x8xf32> to vector<8xf32>
    %broadcast_in_dim3A_253 = vector.shape_cast %reduce_sum3A_252 : vector<8xf32> to vector<1x8xf32>
    %add3A_254 = arith.addf %add3A_239, %broadcast_in_dim3A_253 : vector<1x8xf32>
    %get3A_255 = arith.constant 3072 : index
    %get3A_256 = arith.constant 0 : index
    %get3A_257 = vector.load %arg7[%get3A_255, %get3A_256] : memref<4096x8xf32, #tpu.memory_space<vmem>>, vector<256x8xf32>
    %dot_general3A_258 = arith.constant dense<0.000000e+00> : vector<256x8xf32>
    %dot_general3A_259 = tpu.matmul %convert_element_type3A_74, %get3A_257, %dot_general3A_258 {dimension_numbers = #tpu.dot_dimension_numbers<[1], [0], [0], [1], [0, 0, 1, 1], [], []>, transpose_lhs_hint = false} : vector<256x256xf32>, vector<256x8xf32>, vector<256x8xf32> -> vector<256x8xf32>
    %sub3A_260 = arith.subf %dot_general3A_259, %get3A_257 : vector<256x8xf32>
    %add3A_261 = vector.broadcast %add3A_254 : vector<1x8xf32> to vector<256x8xf32>
    %add3A_262 = arith.addf %sub3A_260, %add3A_261 : vector<256x8xf32>
    %swap3A_263 = arith.constant 3072 : index
    %swap3A_264 = arith.constant 0 : index
    %swap3A_265 = vector.load %arg8[%swap3A_263, %swap3A_264] : memref<4096x8xf32, #tpu.memory_space<vmem>>, vector<256x8xf32>
    tpu.vector_store %arg8[%swap3A_263, %swap3A_264], %add3A_262 {strides = array<i32>} : memref<4096x8xf32, #tpu.memory_space<vmem>>, vector<256x8xf32>,
    %reduce_sum3A_266 = arith.constant dense<0.000000e+00> : vector<8xf32>
    %reduce_sum3A_267 = vector.multi_reduction <add>, %get3A_257, %reduce_sum3A_266 [0] : vector<256x8xf32> to vector<8xf32>
    %broadcast_in_dim3A_268 = vector.shape_cast %reduce_sum3A_267 : vector<8xf32> to vector<1x8xf32>
    %add3A_269 = arith.addf %add3A_254, %broadcast_in_dim3A_268 : vector<1x8xf32>
    %get3A_270 = arith.constant 3328 : index
    %get3A_271 = arith.constant 0 : index
    %get3A_272 = vector.load %arg7[%get3A_270, %get3A_271] : memref<4096x8xf32, #tpu.memory_space<vmem>>, vector<256x8xf32>
    %dot_general3A_273 = arith.constant dense<0.000000e+00> : vector<256x8xf32>
    %dot_general3A_274 = tpu.matmul %convert_element_type3A_74, %get3A_272, %dot_general3A_273 {dimension_numbers = #tpu.dot_dimension_numbers<[1], [0], [0], [1], [0, 0, 1, 1], [], []>, transpose_lhs_hint = false} : vector<256x256xf32>, vector<256x8xf32>, vector<256x8xf32> -> vector<256x8xf32>
    %sub3A_275 = arith.subf %dot_general3A_274, %get3A_272 : vector<256x8xf32>
    %add3A_276 = vector.broadcast %add3A_269 : vector<1x8xf32> to vector<256x8xf32>
    %add3A_277 = arith.addf %sub3A_275, %add3A_276 : vector<256x8xf32>
    %swap3A_278 = arith.constant 3328 : index
    %swap3A_279 = arith.constant 0 : index
    %swap3A_280 = vector.load %arg8[%swap3A_278, %swap3A_279] : memref<4096x8xf32, #tpu.memory_space<vmem>>, vector<256x8xf32>
    tpu.vector_store %arg8[%swap3A_278, %swap3A_279], %add3A_277 {strides = array<i32>} : memref<4096x8xf32, #tpu.memory_space<vmem>>, vector<256x8xf32>,
    %reduce_sum3A_281 = arith.constant dense<0.000000e+00> : vector<8xf32>
    %reduce_sum3A_282 = vector.multi_reduction <add>, %get3A_272, %reduce_sum3A_281 [0] : vector<256x8xf32> to vector<8xf32>
    %broadcast_in_dim3A_283 = vector.shape_cast %reduce_sum3A_282 : vector<8xf32> to vector<1x8xf32>
    %add3A_284 = arith.addf %add3A_269, %broadcast_in_dim3A_283 : vector<1x8xf32>
    %get3A_285 = arith.constant 3584 : index
    %get3A_286 = arith.constant 0 : index
    %get3A_287 = vector.load %arg7[%get3A_285, %get3A_286] : memref<4096x8xf32, #tpu.memory_space<vmem>>, vector<256x8xf32>
    %dot_general3A_288 = arith.constant dense<0.000000e+00> : vector<256x8xf32>
    %dot_general3A_289 = tpu.matmul %convert_element_type3A_74, %get3A_287, %dot_general3A_288 {dimension_numbers = #tpu.dot_dimension_numbers<[1], [0], [0], [1], [0, 0, 1, 1], [], []>, transpose_lhs_hint = false} : vector<256x256xf32>, vector<256x8xf32>, vector<256x8xf32> -> vector<256x8xf32>
    %sub3A_290 = arith.subf %dot_general3A_289, %get3A_287 : vector<256x8xf32>
    %add3A_291 = vector.broadcast %add3A_284 : vector<1x8xf32> to vector<256x8xf32>
    %add3A_292 = arith.addf %sub3A_290, %add3A_291 : vector<256x8xf32>
    %swap3A_293 = arith.constant 3584 : index
    %swap3A_294 = arith.constant 0 : index
    %swap3A_295 = vector.load %arg8[%swap3A_293, %swap3A_294] : memref<4096x8xf32, #tpu.memory_space<vmem>>, vector<256x8xf32>
    tpu.vector_store %arg8[%swap3A_293, %swap3A_294], %add3A_292 {strides = array<i32>} : memref<4096x8xf32, #tpu.memory_space<vmem>>, vector<256x8xf32>,
    %reduce_sum3A_296 = arith.constant dense<0.000000e+00> : vector<8xf32>
    %reduce_sum3A_297 = vector.multi_reduction <add>, %get3A_287, %reduce_sum3A_296 [0] : vector<256x8xf32> to vector<8xf32>
    %broadcast_in_dim3A_298 = vector.shape_cast %reduce_sum3A_297 : vector<8xf32> to vector<1x8xf32>
    %add3A_299 = arith.addf %add3A_284, %broadcast_in_dim3A_298 : vector<1x8xf32>
    %get3A_300 = arith.constant 3840 : index
    %get3A_301 = arith.constant 0 : index
    %get3A_302 = vector.load %arg7[%get3A_300, %get3A_301] : memref<4096x8xf32, #tpu.memory_space<vmem>>, vector<256x8xf32>
    %dot_general3A_303 = arith.constant dense<0.000000e+00> : vector<256x8xf32>
    %dot_general3A_304 = tpu.matmul %convert_element_type3A_74, %get3A_302, %dot_general3A_303 {dimension_numbers = #tpu.dot_dimension_numbers<[1], [0], [0], [1], [0, 0, 1, 1], [], []>, transpose_lhs_hint = false} : vector<256x256xf32>, vector<256x8xf32>, vector<256x8xf32> -> vector<256x8xf32>
    %sub3A_305 = arith.subf %dot_general3A_304, %get3A_302 : vector<256x8xf32>
    %add3A_306 = vector.broadcast %add3A_299 : vector<1x8xf32> to vector<256x8xf32>
    %add3A_307 = arith.addf %sub3A_305, %add3A_306 : vector<256x8xf32>
    %swap3A_308 = arith.constant 3840 : index
    %swap3A_309 = arith.constant 0 : index
    %swap3A_310 = vector.load %arg8[%swap3A_308, %swap3A_309] : memref<4096x8xf32, #tpu.memory_space<vmem>>, vector<256x8xf32>
    tpu.vector_store %arg8[%swap3A_308, %swap3A_309], %add3A_307 {strides = array<i32>} : memref<4096x8xf32, #tpu.memory_space<vmem>>, vector<256x8xf32>,
    %reduce_sum3A_311 = arith.constant dense<0.000000e+00> : vector<8xf32>
    %reduce_sum3A_312 = vector.multi_reduction <add>, %get3A_302, %reduce_sum3A_311 [0] : vector<256x8xf32> to vector<8xf32>
    %broadcast_in_dim3A_313 = vector.shape_cast %reduce_sum3A_312 : vector<8xf32> to vector<1x8xf32>
    %add3A_314 = arith.addf %add3A_299, %broadcast_in_dim3A_313 : vector<1x8xf32>
    %add3A_315 = arith.constant 1.270000e+02 : f32
    %add3A_316 = vector.broadcast %add3A_315 : f32 to vector<1x8xf32>
    %add3A_317 = arith.addf %add3A_314, %add3A_316 : vector<1x8xf32>
    %div3A_318 = arith.constant 1.280000e+02 : f32
    %div3A_319 = vector.broadcast %div3A_318 : f32 to vector<1x8xf32>
    %div3A_320 = arith.divf %add3A_317, %div3A_319 : vector<1x8xf32>
    %floor3A = math.floor %div3A_320 : vector<1x8xf32>
    %iota3A_321 = tpu.iota {dimensions = array<i32: 0>} : vector<8x8xi32>
    %iota3A_322 = tpu.iota {dimensions = array<i32: 1>} : vector<8x8xi32>
    %lt3A = arith.cmpi slt, %iota3A_321, %iota3A_322 : vector<8x8xi32>
    %convert_element_type3A_323 = arith.extui %lt3A : vector<8x8xi1> to vector<8x8xi32>
    %convert_element_type3A_324 = arith.sitofp %convert_element_type3A_323 : vector<8x8xi32> to vector<8x8xf32>
    %dot_general3A_325 = arith.constant dense<0.000000e+00> : vector<1x8xf32>
    %dot_general3A_326 = tpu.matmul %floor3A, %convert_element_type3A_324, %dot_general3A_325 {dimension_numbers = #tpu.dot_dimension_numbers<[1], [0], [0], [1], [0, 0, 1, 1], [], []>, transpose_lhs_hint = false} : vector<1x8xf32>, vector<8x8xf32>, vector<1x8xf32> -> vector<1x8xf32>
    %get3A_327 = arith.constant 0 : index
    %get3A_328 = arith.constant 0 : index
    %get3A_329 = vector.load %arg7[%get3A_327, %get3A_328] : memref<4096x8xf32, #tpu.memory_space<vmem>>, vector<4096x8xf32>
    %mul3A = arith.constant 1.280000e+02 : f32
    %mul3A_330 = vector.broadcast %mul3A : f32 to vector<1x8xf32>
    %mul3A_331 = arith.mulf %dot_general3A_326, %mul3A_330 : vector<1x8xf32>
    %mul3A_332 = vector.broadcast %mul3A_331 : vector<1x8xf32> to vector<4096x8xf32>
    %mul3A_333 = arith.mulf %get3A_329, %mul3A_332 : vector<4096x8xf32>
    %reduce_sum3A_334 = arith.constant dense<0.000000e+00> : vector<4096xf32>
    %reduce_sum3A_335 = vector.multi_reduction <add>, %mul3A_333, %reduce_sum3A_334 [1] : vector<4096x8xf32> to vector<4096xf32>
    %broadcast_in_dim3A_336 = vector.shape_cast %reduce_sum3A_335 : vector<4096xf32> to vector<4096x1xf32>
    %get3A_337 = arith.constant 0 : index
    %get3A_338 = arith.constant 0 : index
    %get3A_339 = vector.load %arg8[%get3A_337, %get3A_338] : memref<4096x8xf32, #tpu.memory_space<vmem>>, vector<4096x8xf32>
    %mul3A_340 = arith.mulf %get3A_329, %get3A_339 : vector<4096x8xf32>
    %reduce_sum3A_341 = arith.constant dense<0.000000e+00> : vector<4096xf32>
    %reduce_sum3A_342 = vector.multi_reduction <add>, %mul3A_340, %reduce_sum3A_341 [1] : vector<4096x8xf32> to vector<4096xf32>
    %broadcast_in_dim3A_343 = vector.shape_cast %reduce_sum3A_342 : vector<4096xf32> to vector<4096x1xf32>
    %add3A_344 = arith.addf %broadcast_in_dim3A_336, %broadcast_in_dim3A_343 : vector<4096x1xf32>
    %convert_element_type3A_345 = arith.fptosi %add3A_344 : vector<4096x1xf32> to vector<4096x1xi32>
    %swap3A_346 = arith.constant 0 : index
    %swap3A_347 = arith.constant 0 : index
    %swap3A_348 = vector.load %arg4[%swap3A_346, %swap3A_347] : memref<4096x1xi32, #tpu.memory_space<vmem>>, vector<4096x1xi32>
    tpu.vector_store %arg4[%swap3A_346, %swap3A_347], %convert_element_type3A_345 {strides = array<i32>} : memref<4096x1xi32, #tpu.memory_space<vmem>>, vector<4096x1xi32>,
    %add3A_349 = arith.addf %dot_general3A_326, %floor3A : vector<1x8xf32>
    %iota3A_350 = tpu.iota {dimensions = array<i32: 0>} : vector<64x1xi32>
    %convert_element_type3A_351 = arith.sitofp %iota3A_350 : vector<64x1xi32> to vector<64x1xf32>
    %ge3A_352 = vector.broadcast %convert_element_type3A_351 : vector<64x1xf32> to vector<64x8xf32>
    %ge3A_353 = vector.broadcast %add3A_349 : vector<1x8xf32> to vector<64x8xf32>
    %ge3A_354 = arith.cmpf oge, %ge3A_352, %ge3A_353 : vector<64x8xf32>
    %convert_element_type3A_355 = arith.extui %ge3A_354 : vector<64x8xi1> to vector<64x8xi32>
    %convert_element_type3A_356 = arith.sitofp %convert_element_type3A_355 : vector<64x8xi32> to vector<64x8xf32>
    %reduce_sum3A_357 = arith.constant dense<0.000000e+00> : vector<64xf32>
    %reduce_sum3A_358 = vector.multi_reduction <add>, %convert_element_type3A_356, %reduce_sum3A_357 [1] : vector<64x8xf32> to vector<64xf32>
    %broadcast_in_dim3A_359 = vector.shape_cast %reduce_sum3A_358 : vector<64xf32> to vector<64x1xf32>
    %min3A = arith.constant 7.000000e+00 : f32
    %min3A_360 = vector.broadcast %min3A : f32 to vector<64x1xf32>
    %min3A_361 = arith.minimumf %broadcast_in_dim3A_359, %min3A_360 : vector<64x1xf32>
    %convert_element_type3A_362 = arith.fptosi %min3A_361 : vector<64x1xf32> to vector<64x1xi32>
    %swap3A_363 = arith.constant 0 : index
    %swap3A_364 = arith.constant 0 : index
    %swap3A_365 = vector.load %arg6[%swap3A_363, %swap3A_364] : memref<64x1xi32, #tpu.memory_space<vmem>>, vector<64x1xi32>
    tpu.vector_store %arg6[%swap3A_363, %swap3A_364], %convert_element_type3A_362 {strides = array<i32>} : memref<64x1xi32, #tpu.memory_space<vmem>>, vector<64x1xi32>,
    return
  }
}

module attributes {stable_mosaic.version = 14 : i64} {
  func.func @_expert_mlp_kernel(%arg0: i32, %arg1: memref<40xi32, #tpu.memory_space<smem>>, %arg2: memref<128x1024xf32, #tpu.memory_space<vmem>>, %arg3: memref<1x1024x2048xbf16, #tpu.memory_space<vmem>>, %arg4: memref<1x1x2048xf32, #tpu.memory_space<vmem>>, %arg5: memref<1x2048x1024xbf16, #tpu.memory_space<vmem>>, %arg6: memref<1x1x1024xf32, #tpu.memory_space<vmem>>, %arg7: memref<128x1024xf32, #tpu.memory_space<vmem>>) attributes {dimension_semantics = [#tpu.dimension_semantics<arbitrary>], iteration_bounds = array<i64: 40>, scalar_prefetch = 1 : i64, scratch_operands = 0 : i64, tpu.core_type = #tpu.core_type<tc>, window_params = [{transform_indices = @transform_0, window_bounds = array<i64: 128, 1024>}, {transform_indices = @transform_1, window_bounds = array<i64: 1, 1024, 2048>}, {transform_indices = @transform_2, window_bounds = array<i64: 1, 1, 2048>}, {transform_indices = @transform_3, window_bounds = array<i64: 1, 2048, 1024>}, {transform_indices = @transform_4, window_bounds = array<i64: 1, 1, 1024>}, {transform_indices = @transform_5, window_bounds = array<i64: 128, 1024>}]} {
    %get3A = arith.constant 0 : index
    %get3A_0 = arith.constant 0 : index
    %get3A_1 = vector.load %arg2[%get3A, %get3A_0] : memref<128x1024xf32, #tpu.memory_space<vmem>>, vector<128x1024xf32>
    %convert_element_type3A = arith.truncf %get3A_1 : vector<128x1024xf32> to vector<128x1024xbf16>
    %get3A_2 = arith.constant 0 : index
    %get3A_3 = arith.constant 0 : index
    %get3A_4 = arith.constant 0 : index
    %get3A_5 = vector.load %arg3[%get3A_2, %get3A_3, %get3A_4] : memref<1x1024x2048xbf16, #tpu.memory_space<vmem>>, vector<1x1024x2048xbf16>
    %get3A_6 = vector.shape_cast %get3A_5 : vector<1x1024x2048xbf16> to vector<1024x2048xbf16>
    %dot_general3A = arith.constant dense<0.000000e+00> : vector<128x2048xf32>
    %dot_general3A_7 = tpu.matmul %convert_element_type3A, %get3A_6, %dot_general3A {dimension_numbers = #tpu.dot_dimension_numbers<[1], [0], [0], [1], [0, 0, 1, 1], [], []>, transpose_lhs_hint = false} : vector<128x1024xbf16>, vector<1024x2048xbf16>, vector<128x2048xf32> -> vector<128x2048xf32>
    %get3A_8 = arith.constant 0 : index
    %get3A_9 = arith.constant 0 : index
    %get3A_10 = arith.constant 0 : index
    %get3A_11 = vector.load %arg4[%get3A_8, %get3A_9, %get3A_10] : memref<1x1x2048xf32, #tpu.memory_space<vmem>>, vector<1x1x2048xf32>
    %get3A_12 = vector.shape_cast %get3A_11 : vector<1x1x2048xf32> to vector<1x2048xf32>
    %add3A = vector.broadcast %get3A_12 : vector<1x2048xf32> to vector<128x2048xf32>
    %add3A_13 = arith.addf %dot_general3A_7, %add3A : vector<128x2048xf32>
    %mul3A = arith.constant 5.000000e-01 : f32
    %mul3A_14 = vector.broadcast %mul3A : f32 to vector<128x2048xf32>
    %mul3A_15 = arith.mulf %mul3A_14, %add3A_13 : vector<128x2048xf32>
    %mul3A_16 = arith.constant 0.707106769 : f32
    %mul3A_17 = vector.broadcast %mul3A_16 : f32 to vector<128x2048xf32>
    %mul3A_18 = arith.mulf %add3A_13, %mul3A_17 : vector<128x2048xf32>
    %erf3A = math.erf %mul3A_18 : vector<128x2048xf32>
    %add3A_19 = arith.constant 1.000000e+00 : f32
    %add3A_20 = vector.broadcast %add3A_19 : f32 to vector<128x2048xf32>
    %add3A_21 = arith.addf %add3A_20, %erf3A : vector<128x2048xf32>
    %mul3A_22 = arith.mulf %mul3A_15, %add3A_21 : vector<128x2048xf32>
    %convert_element_type3A_23 = arith.truncf %mul3A_22 : vector<128x2048xf32> to vector<128x2048xbf16>
    %get3A_24 = arith.constant 0 : index
    %get3A_25 = arith.constant 0 : index
    %get3A_26 = arith.constant 0 : index
    %get3A_27 = vector.load %arg5[%get3A_24, %get3A_25, %get3A_26] : memref<1x2048x1024xbf16, #tpu.memory_space<vmem>>, vector<1x2048x1024xbf16>
    %get3A_28 = vector.shape_cast %get3A_27 : vector<1x2048x1024xbf16> to vector<2048x1024xbf16>
    %dot_general3A_29 = arith.constant dense<0.000000e+00> : vector<128x1024xf32>
    %dot_general3A_30 = tpu.matmul %convert_element_type3A_23, %get3A_28, %dot_general3A_29 {dimension_numbers = #tpu.dot_dimension_numbers<[1], [0], [0], [1], [0, 0, 1, 1], [], []>, transpose_lhs_hint = false} : vector<128x2048xbf16>, vector<2048x1024xbf16>, vector<128x1024xf32> -> vector<128x1024xf32>
    %get3A_31 = arith.constant 0 : index
    %get3A_32 = arith.constant 0 : index
    %get3A_33 = arith.constant 0 : index
    %get3A_34 = vector.load %arg6[%get3A_31, %get3A_32, %get3A_33] : memref<1x1x1024xf32, #tpu.memory_space<vmem>>, vector<1x1x1024xf32>
    %get3A_35 = vector.shape_cast %get3A_34 : vector<1x1x1024xf32> to vector<1x1024xf32>
    %add3A_36 = vector.broadcast %get3A_35 : vector<1x1024xf32> to vector<128x1024xf32>
    %add3A_37 = arith.addf %dot_general3A_30, %add3A_36 : vector<128x1024xf32>
    %swap3A = arith.constant 0 : index
    %swap3A_38 = arith.constant 0 : index
    %swap3A_39 = vector.load %arg7[%swap3A, %swap3A_38] : memref<128x1024xf32, #tpu.memory_space<vmem>>, vector<128x1024xf32>
    tpu.vector_store %arg7[%swap3A, %swap3A_38], %add3A_37 {strides = array<i32>} : memref<128x1024xf32, #tpu.memory_space<vmem>>, vector<128x1024xf32>,
    return
  }
  func.func @transform_0(%arg0: i32, %arg1: memref<40xi32, #tpu.memory_space<smem>>) -> (i32, i32) {
    %c0_i32 = arith.constant 0 : i32
    %c0_i32_0 = arith.constant 0 : i32
    return %arg0, %c0_i32 : i32, i32
  }
  func.func @transform_1(%arg0: i32, %arg1: memref<40xi32, #tpu.memory_space<smem>>) -> (i32, i32, i32) {
    %get3A = arith.index_cast %arg0 : i32 to index
    %get3A_0 = memref.load %arg1[%get3A] : memref<40xi32, #tpu.memory_space<smem>>
    %c0_i32 = arith.constant 0 : i32
    %c0_i32_1 = arith.constant 0 : i32
    %c0_i32_2 = arith.constant 0 : i32
    return %get3A_0, %c0_i32, %c0_i32_1 : i32, i32, i32
  }
  func.func @transform_2(%arg0: i32, %arg1: memref<40xi32, #tpu.memory_space<smem>>) -> (i32, i32, i32) {
    %get3A = arith.index_cast %arg0 : i32 to index
    %get3A_0 = memref.load %arg1[%get3A] : memref<40xi32, #tpu.memory_space<smem>>
    %c0_i32 = arith.constant 0 : i32
    %c0_i32_1 = arith.constant 0 : i32
    %c0_i32_2 = arith.constant 0 : i32
    return %get3A_0, %c0_i32, %c0_i32_1 : i32, i32, i32
  }
  func.func @transform_3(%arg0: i32, %arg1: memref<40xi32, #tpu.memory_space<smem>>) -> (i32, i32, i32) {
    %get3A = arith.index_cast %arg0 : i32 to index
    %get3A_0 = memref.load %arg1[%get3A] : memref<40xi32, #tpu.memory_space<smem>>
    %c0_i32 = arith.constant 0 : i32
    %c0_i32_1 = arith.constant 0 : i32
    %c0_i32_2 = arith.constant 0 : i32
    return %get3A_0, %c0_i32, %c0_i32_1 : i32, i32, i32
  }
  func.func @transform_4(%arg0: i32, %arg1: memref<40xi32, #tpu.memory_space<smem>>) -> (i32, i32, i32) {
    %get3A = arith.index_cast %arg0 : i32 to index
    %get3A_0 = memref.load %arg1[%get3A] : memref<40xi32, #tpu.memory_space<smem>>
    %c0_i32 = arith.constant 0 : i32
    %c0_i32_1 = arith.constant 0 : i32
    %c0_i32_2 = arith.constant 0 : i32
    return %get3A_0, %c0_i32, %c0_i32_1 : i32, i32, i32
  }
  func.func @transform_5(%arg0: i32, %arg1: memref<40xi32, #tpu.memory_space<smem>>) -> (i32, i32) {
    %c0_i32 = arith.constant 0 : i32
    %c0_i32_0 = arith.constant 0 : i32
    return %arg0, %c0_i32 : i32, i32
  }
}

module attributes {stable_mosaic.version = 14 : i64} {
  func.func @_add_kernel(%arg0: i32, %arg1: memref<256x1024xf32, #tpu.memory_space<vmem>>, %arg2: memref<256x1xf32, #tpu.memory_space<vmem>>, %arg3: memref<256x1024xf32, #tpu.memory_space<vmem>>, %arg4: memref<256x1xf32, #tpu.memory_space<vmem>>, %arg5: memref<256x1024xf32, #tpu.memory_space<vmem>>) attributes {dimension_semantics = [#tpu.dimension_semantics<arbitrary>], iteration_bounds = array<i64: 8>, scalar_prefetch = 0 : i64, scratch_operands = 0 : i64, tpu.core_type = #tpu.core_type<tc>, window_params = [{transform_indices = @transform_0, window_bounds = array<i64: 256, 1024>}, {transform_indices = @transform_1, window_bounds = array<i64: 256, 1>}, {transform_indices = @transform_2, window_bounds = array<i64: 256, 1024>}, {transform_indices = @transform_3, window_bounds = array<i64: 256, 1>}, {transform_indices = @transform_4, window_bounds = array<i64: 256, 1024>}]} {
    %get3A = arith.constant 0 : index
    %get3A_0 = arith.constant 0 : index
    %get3A_1 = vector.load %arg1[%get3A, %get3A_0] : memref<256x1024xf32, #tpu.memory_space<vmem>>, vector<256x1024xf32>
    %get3A_2 = arith.constant 0 : index
    %get3A_3 = arith.constant 0 : index
    %get3A_4 = vector.load %arg2[%get3A_2, %get3A_3] : memref<256x1xf32, #tpu.memory_space<vmem>>, vector<256x1xf32>
    %mul3A = vector.broadcast %get3A_4 : vector<256x1xf32> to vector<256x1024xf32>
    %mul3A_5 = arith.mulf %get3A_1, %mul3A : vector<256x1024xf32>
    %get3A_6 = arith.constant 0 : index
    %get3A_7 = arith.constant 0 : index
    %get3A_8 = vector.load %arg3[%get3A_6, %get3A_7] : memref<256x1024xf32, #tpu.memory_space<vmem>>, vector<256x1024xf32>
    %get3A_9 = arith.constant 0 : index
    %get3A_10 = arith.constant 0 : index
    %get3A_11 = vector.load %arg4[%get3A_9, %get3A_10] : memref<256x1xf32, #tpu.memory_space<vmem>>, vector<256x1xf32>
    %mul3A_12 = vector.broadcast %get3A_11 : vector<256x1xf32> to vector<256x1024xf32>
    %mul3A_13 = arith.mulf %get3A_8, %mul3A_12 : vector<256x1024xf32>
    %add3A = arith.addf %mul3A_5, %mul3A_13 : vector<256x1024xf32>
    %swap3A = arith.constant 0 : index
    %swap3A_14 = arith.constant 0 : index
    %swap3A_15 = vector.load %arg5[%swap3A, %swap3A_14] : memref<256x1024xf32, #tpu.memory_space<vmem>>, vector<256x1024xf32>
    tpu.vector_store %arg5[%swap3A, %swap3A_14], %add3A {strides = array<i32>} : memref<256x1024xf32, #tpu.memory_space<vmem>>, vector<256x1024xf32>,
    return
  }
  func.func @transform_0(%arg0: i32) -> (i32, i32) {
    %c0_i32 = arith.constant 0 : i32
    %c0_i32_0 = arith.constant 0 : i32
    return %arg0, %c0_i32 : i32, i32
  }
  func.func @transform_1(%arg0: i32) -> (i32, i32) {
    %c0_i32 = arith.constant 0 : i32
    %c0_i32_0 = arith.constant 0 : i32
    return %arg0, %c0_i32 : i32, i32
  }
  func.func @transform_2(%arg0: i32) -> (i32, i32) {
    %c0_i32 = arith.constant 0 : i32
    %c0_i32_0 = arith.constant 0 : i32
    return %arg0, %c0_i32 : i32, i32
  }
  func.func @transform_3(%arg0: i32) -> (i32, i32) {
    %c0_i32 = arith.constant 0 : i32
    %c0_i32_0 = arith.constant 0 : i32
    return %arg0, %c0_i32 : i32, i32
  }
  func.func @transform_4(%arg0: i32) -> (i32, i32) {
    %c0_i32 = arith.constant 0 : i32
    %c0_i32_0 = arith.constant 0 : i32
    return %arg0, %c0_i32 : i32, i32
  }
}

</mosaic_0001>

<sc_bundles>
// kernel: kernel.10.cloned.1.call-start
scs
__scs_entry_jumppad:
0x0: {  	(pc) =	sbr.rel $0x88, $3  }
0x1: {  	(tag) =	ssettag $0x0;
	lr =	simm.s32 $0x1  }
0x2: {  	[smem:$0x3F99] =	sst lr;
	_ =	strace $0xD0000000  }
0x3: {  	_ = 	snop  }
0x4: {  	_ = 	snop  }
0x5: {  	_ = 	snop  }
0x6: {  	_ = 	snop  }
0x7: {  	_ = 	snop  }
__scs_overlays_trampoline_lowered:
0x8: {  	[smem:$0x3FA8] =	sst s0  }
0x9: {  	[smem:$0x3FA9] =	sst s1  }
0xa: {  	[smem:$0x3FAA] =	sst s2  }
0xb: {  	[smem:$0x3FAB] =	sst s3  }
0xc: {  	[smem:$0x3FAC] =	sst s4  }
0xd: {  	[smem:$0x3FAD] =	sst s5  }
0xe: {  	[smem:$0x3FAE] =	sst s6  }
0xf: {  	[smem:$0x3FAF] =	sst s7  }
0x10: {  	[smem:$0x3FB0] =	sst s8  }
0x11: {  	[smem:$0x3FB1] =	sst s9;
	s0 =	simm.s32 @!p0 $0x0  }
0x12: {  	s1 =	sld [smem:$0x3F97];
	s0 =	simm.s32 @p0 $0x1  }
0x13: {  	[smem:$0x3FB2] =	sst s0;
	s0 =	simm.s32 @!p1 $0x0  }
0x14: {  	s2 =	sld [smem:$0x3F96];
	s0 =	simm.s32 @p1 $0x1  }
0x15: {  	[smem:$0x3FB3] =	sst s0;
	s0 =	simm.s32 @!p2 $0x0  }
0x16: {  	s3 =	sld [smem:$0x3FDB];
	s0 =	simm.s32 @p2 $0x1  }
0x17: {  	s4 =	simm.s32 $0x1BF5;
	[smem:$0x3FB5] =	sst s0  }
0x18: {  	s0 =	sld [smem:$0x3F98];
	_ =	swait.ge [sflag:s4], $0x0  }
0x19: {  	s7 =	sld [smem:$0x3F99]  }
0x1a: {  	s8 =	sadd.s32 $0xFFFFE003, lr  }
0x1b: {  	s9 =	sadd.s32 $0xFFFFFEF7, lr;
	s5 =	simm.s32 $0xFFFFFFFF;
	p2 =	slt.u32 s8, $0xFFFFF086  }
0x1c: {  	p1 =	slt.u32 s9, $0xF7A;
	s5 =	simm.s32 @!p2 $0x0  }
0x1d: {  	s5 =	simm.s32 @p1 $0x1;
	p0 =	seq.s32 s7, s2  }
0x1e: {  	s7 =	smul.u32 @!p0 $0xF7A, s2;
	p2 =	seq.s32 @!p0 s5, $0x0  }
0x1f: {  	s9 =	smul.u32 $0xF7A, s1;
	s8 =	simm.s32 @!p0 $0x1BF5;
	p2 =	por !p2, p0  }
0x20: {  	[sflag:s8] =	ssyncset.s32 @!p0 $0xFFFFF086;
	s6 =	sadd.s32 @!p0 s3, s7;
	s7 =	simm.s32 @!p0 $0x108  }
0x21: {  	s3 =	sadd.s32 s3, s9;
	s6 =	sadd.s32 @!p0 $0x88, s6;
	s7 =	simm.s32 @p2 $0x1082  }
0x22: {  	[simem:s7], [sflag:s8] =	dma.local @!p0 [hbm:s6], $0xF7A  }
0x23: {  	s9 =	sor.u32 $0xD0000000, s2;
	s6 =	simm.s32 $0x108;
	_ =	swait.ge @!p0 [sflag:s8], $0x0  }
0x24: {  	s3 =	sadd.s32 $0x88, s3;
	s6 =	simm.s32 @!p1 $0x1082;
	[sflag:s4] =	ssyncset.s32 $0xFFFFF086  }
0x25: {  	[simem:s6], [sflag:s4] =	dma.local [hbm:s3], $0xF7A  }
0x26: {  	[smem:$0x3F99] =	sst s1;
	(tag) =	ssettag s2;
	_ =	strace s9  }
0x27: {  	s1 =	sld [smem:$0x3FA9]  }
0x28: {  	s2 =	sld [smem:$0x3FAA]  }
0x29: {  	s4 =	sld [smem:$0x3FAC]  }
0x2a: {  	p0 =	seq.s32 s5, $0x0;
	s5 =	sld [smem:$0x3FAD]  }
0x2b: {  	s6 =	sld [smem:$0x3FAE]  }
0x2c: {  	s7 =	sld [smem:$0x3FAF]  }
0x2d: {  	s3 =	simm.s32 $0x108;
	s8 =	sld [smem:$0x3FB0]  }
0x2e: {  	s3 =	simm.s32 @!p0 $0x1082;
	s9 =	sld [smem:$0x3FB1]  }
0x2f: {  	lr =	sadd.s32 s0, s3;
	s0 =	sld [smem:$0x3FA8]  }
0x30: {  	s3 =	sld [smem:$0x3FAB]  }
0x31: {  	[smem:$0x3FB4] =	sst s10  }
0x32: {  	s10 =	sld [smem:$0x3FB2];
	_ =	sdelay $0x3  }
0x33: {  	p0 =	seq.s32 s10, $0x1;
	s10 =	sld [smem:$0x3FB4];
	_ =	sdelay $0x3  }
0x34: {  	[smem:$0x3FB4] =	sst s10  }
0x35: {  	s10 =	sld [smem:$0x3FB3];
	_ =	sdelay $0x3  }
0x36: {  	p1 =	seq.s32 s10, $0x1;
	s10 =	sld [smem:$0x3FB4];
	_ =	sdelay $0x3  }
0x37: {  	[smem:$0x3FB4] =	sst s10  }
0x38: {  	s10 =	sld [smem:$0x3FB5]  }
0x39: {  	_ = 	snop;
	(pc) =	sbr.ind lr, $3  }
0x3a: {  	_ = 	snop  }
0x3b: {  	_ = 	snop  }
0x3c: {  	p2 =	seq.s32 s10, $0x1;
	s10 =	sld [smem:$0x3FB4]  }
0x3d: {  	_ =	shalt  }
0x3e: {  	_ =	shalt  }
0x3f: {  	_ =	shalt  }
0x40: {  	_ =	shalt  }
0x41: {  	_ =	shalt  }
0x42: {  	_ =	shalt  }
0x43: {  	_ =	shalt  }
0x44: {  	_ =	shalt  }
0x45: {  	_ =	shalt  }
0x46: {  	_ =	shalt  }
0x47: {  	_ =	shalt  }
0x48: {  	_ =	shalt  }
0x49: {  	_ =	shalt  }
0x4a: {  	_ =	shalt  }
0x4b: {  	_ =	shalt  }
0x4c: {  	_ =	shalt  }
0x4d: {  	_ =	shalt  }
0x4e: {  	_ =	shalt  }
0x4f: {  	_ =	shalt  }
0x50: {  	_ =	shalt  }
0x51: {  	_ =	shalt  }
0x52: {  	_ =	shalt  }
0x53: {  	_ =	shalt  }
0x54: {  	_ =	shalt  }
0x55: {  	_ =	shalt  }
0x56: {  	_ =	shalt  }
0x57: {  	_ =	shalt  }
0x58: {  	_ =	shalt  }
0x59: {  	_ =	shalt  }
0x5a: {  	_ =	shalt  }
0x5b: {  	_ =	shalt  }
0x5c: {  	_ =	shalt  }
0x5d: {  	_ =	shalt  }
0x5e: {  	_ =	shalt  }
0x5f: {  	_ =	shalt  }
0x60: {  	_ =	shalt  }
0x61: {  	_ =	shalt  }
0x62: {  	_ =	shalt  }
0x63: {  	_ =	shalt  }
0x64: {  	_ =	shalt  }
0x65: {  	_ =	shalt  }
0x66: {  	_ =	shalt  }
0x67: {  	_ =	shalt  }
0x68: {  	_ =	shalt  }
0x69: {  	_ =	shalt  }
0x6a: {  	_ =	shalt  }
0x6b: {  	_ =	shalt  }
0x6c: {  	_ =	shalt  }
0x6d: {  	_ =	shalt  }
0x6e: {  	_ =	shalt  }
0x6f: {  	_ =	shalt  }
0x70: {  	_ =	shalt  }
0x71: {  	_ =	shalt  }
0x72: {  	_ =	shalt  }
0x73: {  	_ =	shalt  }
0x74: {  	_ =	shalt  }
0x75: {  	_ =	shalt  }
0x76: {  	_ =	shalt  }
0x77: {  	_ =	shalt  }
0x78: {  	_ =	shalt  }
0x79: {  	_ =	shalt  }
0x7a: {  	_ =	shalt  }
0x7b: {  	_ =	shalt  }
0x7c: {  	_ =	shalt  }
0x7d: {  	_ =	shalt  }
0x7e: {  	_ =	shalt  }
0x7f: {  	_ =	shalt  }
0x80: {  	_ =	shalt  }
0x81: {  	_ =	shalt  }
0x82: {  	_ =	shalt  }
0x83: {  	_ =	shalt  }
0x84: {  	_ =	shalt  }
0x85: {  	_ =	shalt  }
0x86: {  	_ =	shalt  }
0x87: {  	_ =	shalt  }
.Lfunc_end0:
.L_simem_size_0:
called_computation.1_lowered:
.L_overlay_start_0:
0x88: {  	s2 =	sld [smem:$0x3FD9]  }
0x89: {  	s3 =	sld [smem:$0x3FFE];
	_ =	sdelay $0x1  }
0x8a: {  	s1 =	srdreg.scid  }
0x8b: {  	s0 =	sand.u32 $0x1, s1  }
0x8c: {  	s17 =	sshll.u32 s0, $0xA;
	s2 =	sadd.s32 s3, s2  }
0x8d: {  	s2 =	sadd.s32 s2, s17  }
0x8e: {  	[smem:$0x3FC0] =	sst s2  }
0x8f: {  	_ = 	snop  }
0x90: {  	s2 =	sld [smem:$0x3FD0];
	(tm) =	ssettm $0x1  }
0x91: {  	s18 =	sld [smem:$0x3FFB];
	_ =	sdelay $0x3  }
0x92: {  	_ =	strace s18  }
0x93: {  	s3 =	sld [smem:$0x3FFC];
	_ =	sdelay $0x3  }
0x94: {  	_ =	strace s3  }
0x95: {  	s3 =	sld [smem:$0x3FFD];
	_ =	sdelay $0x3  }
0x96: {  	_ =	strace s3  }
0x97: {  	_ =	strace $0x8FFFFFFF  }
0x98: {  	s19 =	sld [smem:$0x3FDB];
	_ =	sdelay $0x1  }
0x99: {  	s4 =	simm.s32 $_scs_section_size  }
0x9a: {  	s5 =	simm.s32 $_size__tile_overlayer_lowered;
	s6 =	simm.s32 $_tile_overlayer_lowered  }
0x9b: {  	s22 =	simm.s32 $0x1BFF;
	s21 =	sshll.u32 s6, $0x1;
	s3 =	sadd.s32 s4, s19  }
0x9c: {  	s7 =	simm.s32 $0x0;
	s20 =	sshll.u32 s5, $0x1;
	s5 =	sadd.s32 s21, s3  }
0x9d: {  	[timem:s7], [sflag:s22] =	dma.local [hbm:s5], s20  }
0x9e: {  	_ =	swait.ge [sflag:s22], s20  }
0x9f: {  	s4 =	ssub.s32 $0x0, s20;
	[sflag:s22] =	ssyncset.done $0x0  }
0xa0: {  	[sflag:s22] =	ssyncadd.s32 s4;
	_ =	sdelay $0x1  }
0xa1: {  	s23 =	simm.s32 $0x1B8B  }
0xa2: {  	_ =	swait.ge [sflag:s23], $0x1  }
0xa3: {  	[sflag:s23] =	ssyncset.done $0x0  }
0xa4: {  	s25 =	simm.s32 $0x1B8E;
	s24 =	sld [smem:$0x3FFE];
	[sflag:s23] =	ssyncadd.s32 $0xFFFFFFFF  }
0xa5: {  	s26 =	simm.s32 $execute0_lowered;
	[smem:$0x3FD2] =	sst s25  }
0xa6: {  	s5 =	sshll.u32 s26, $0x1;
	_ =	strace $0x80000049;
	[dreg:$0x1] =	wrdreg $0xFFFFFFFF  }
0xa7: {  	s28 =	simm.s32 $_size_execute0_lowered;
	s3 =	sadd.s32 s3, s5;
	[dreg:$0x0] =	wrdreg $0x0  }
0xa8: {  	s5 =	sshll.u32 s28, $0x1;
	[dreg:$0x2] =	wrdreg s3  }
0xa9: {  	[dreg:$0x3] =	wrdreg s5  }
0xaa: {  	[dreg:$0x4] =	wrdreg $0xC0  }
0xab: {  	_ =	task [dreg:s7], $0x5FFFF  }
0xac: {  	[dreg:$0x1] =	wrdreg $0xFFFFFFFF  }
0xad: {  	[dreg:$0x0] =	wrdreg $0x60  }
0xae: {  	[dreg:$0x2] =	wrdreg s24  }
0xaf: {  	[dreg:$0x3] =	wrdreg s2  }
0xb0: {  	[dreg:$0x4] =	wrdreg $0x9  }
0xb1: {  	_ =	task.clear_ibuf [dreg:s7], $0x5FFFF;
	_ =	strace $0x90000049  }
0xb2: {  	s29 =	simm.s32 $0x9;
	_ =	strace $0x8000004B  }
0xb3: {  	_ =	swait.ge [sflag:s29], $0x1  }
0xb4: {  	[sflag:s29] =	ssyncadd.s32 $0xFFFFFFFF  }
0xb5: {  	_ =	strace $0x9000004B  }
0xb6: {  	_ =	sfence  }
0xb7: {  	s30 =	sld [smem:$0x0];
	_ =	sdelay $0x2  }
0xb8: {  	s31 =	sshll.u32 s1, $0xD;
	s1 =	sshrl.u32 s1, $0x2  }
0xb9: {  	s3 =	sand.u32 $0x4000, s31;
	s1 =	sadd.s32 s1, s30  }
0xba: {  	s0 =	sor.u32 s3, s0;
	s1 =	sshll.u32 s1, $0x11  }
0xbb: {  	s0 =	sor.u32 s1, s0  }
0xbc: {  	s0 =	sadd.s32 $0x8F2B, s0  }
0xbd: {  	[sflag:s0] =	ssyncadd.remote.s32 $0x1  }
0xbe: {  	_ =	sfence.sel $0xFFFF  }
0xbf: {  	[dreg:$0x0] =	wrdreg $0xFFFFFFFF;
	(pc) =	sbr.abs _section_cstart, $3  }
0xc0: {  	[dreg:$0x1] =	wrdreg $0xFFFFFFFF  }
0xc1: {  	_ =	task.clear_ibuf [dreg:s7], $0x2FFFF;
	_ =	strace $0x9FFFFFFF  }
0xc2: {  	(tm) =	ssettm $0x7FFFFFFF  }
0xc3: {  	_ =	shalt  }
tec
execute0_lowered:
.L_overlay_start_1:
0x0: {  	(tag) =	ssettag $0x1  }
0x1: {  	s0 =	rddreg [dreg:$0x0]  }
0x2: {  	s1 =	rddreg [dreg:$0x1];
	s3 =	srdreg.scid;
	s2 =	simm.s32 $0x0  }
0x3: {  	s5 =	stileid.u32;
	s28 =	simm.s32 $0x100;
	s29 =	simm.s32 $0x2100  }
0x4: {  	s30 =	simm.s32 $0x2900;
	s31 =	simm.s32 $0x3100;
	s12 =	simm.s32 $0x5900  }
0x5: {  	s13 =	simm.s32 $0x6100;
	s14 =	simm.s32 $0x6900;
	s15 =	simm.s32 $0x7100  }
0x6: {  	s16 =	simm.s32 $0x7900;
	s17 =	simm.s32 $0x8900;
	s4 =	sand.u32 $0x1, s3  }
0x7: {  	[smem:$0x7FF] =	sst s2;
	s18 =	sshll.u32 s5, $0x7;
	s3 =	sadd.s32 $0x1800, s0  }
0x8: {  	s6 =	sadd.s32 $0x1600, s0;
	s8 =	sadd.s32 $0xA1800, s0;
	s19 =	sshll.u32 s4, $0x6  }
0x9: {  	_ =	strace $0x8000004A;
	s4 =	ssub.s32 $0x2, s4;
	s5 =	sor.u32 s19, s18  }
0xa: {  	s20 =	sshrl.u32 s4, $0x1;
	s18 =	simm.s32 $0x9100;
	s19 =	simm.s32 $0x9900  }
0xb: {  	s7 =	sshrl.u32 s5, $0x3;
	s10 =	sshll.u32 s5, $0x7;
	s5 =	sor.u32 $0x20, s5  }
0xc: {  	s4 =	ssub.s32 s4, s20;
	s20 =	simm.s32 $0x1;
	s11 =	sadd.s32 s6, s7  }
0xd: {  	s21 =	sadd.s32 s1, s10;
	s22 =	sadd.s32 s8, s10;
	s23 =	sshrl.u32 s5, $0x3  }
0xe: {  	s25 =	sshll.u32 s5, $0x7;
	s5 =	sadd.s32 $0x1900, s0;
	[dreg:$0x4] =	wrdreg s21  }
0xf: {  	s7 =	sadd.s32 $0x1B00, s0;
	s10 =	simm.s32 $0x5100;
	[dreg:$0x5] =	wrdreg s22  }
0x10: {  	s9 =	sadd.s32 $0x100, s11;
	s6 =	sadd.s32 s6, s23;
	[dreg:$0xa] =	wrdreg s11  }
0x11: {  	s24 =	sadd.s32 $0x104, s11;
	s1 =	sadd.s32 s1, s25;
	[dreg:$0x3] =	wrdreg s9  }
0x12: {  	s26 =	sadd.s32 s8, s25;
	s8 =	smax.u32 s4, $0x1;
	[dreg:$0x6] =	wrdreg s6  }
0x13: {  	s21 =	simm.s32 $0x2;
	s23 =	simm.s32 $0x80;
	[dreg:$0x7] =	wrdreg s24  }
0x14: {  	v2 =	vlaneseq.u32;
	s25 =	simm.s32 $0x1100;
	s4 =	simm.s32 $0x4900;
	[dreg:$0x8] =	wrdreg s1  }
0x15: {  	vm0 =	vmmov $0xffff;
	v1 =	vshrl.u32 v2, $0x3;
	s11 =	simm.s32 $0xA100;
	s6 =	sadd.s32 $0x1A00, s0;
	[dreg:$0x9] =	wrdreg s26  }
0x16: {  	v0 =	vand.u32 $0x7, v2;
	v2 =	vor.u32 $0x8, v2;
	v1 =	vmul.u32 $0x8, v1;
	s9 =	simm.s32 $0x3;
	s24 =	simm.s32 $0x900;
	s26 =	simm.s32 $0x1900  }
.LBB2_1:
0x17: {  	s22 =	rddreg [dreg:$0xa]  }
0x18: {  	[tilespmem:s2], [sflag:$0x3] =	stream.linear.gather [hbm4b:s22+s2], $0x20, $0x38;
	[tilespmem:$0x10100] =	vst v63  }
0x19: {  	_ =	swait.ge [sflag:s9], $0x20  }
0x1a: {  	[sflag:s9] =	ssyncset.done $0x0  }
0x1b: {  	s1 =	rddreg [dreg:$0x3];
	[sflag:s9] =	ssyncadd.s32 $0xFFFFFFE0  }
0x1c: {  	[tilespmem:s23], [sflag:$0x3] =	stream.linear.gather [hbm4b:s1+s2], $0x20, $0x38;
	[tilespmem:$0x10100] =	vst v63  }
0x1d: {  	_ =	swait.ge [sflag:s9], $0x20  }
0x1e: {  	[sflag:s9] =	ssyncset.done $0x0  }
0x1f: {  	[sflag:s9] =	ssyncadd.s32 $0xFFFFFFE0  }
0x20: {  	v3 =	vld [tilespmem:$0x0];
	_ =	sdelay $0x4  }
0x21: {  	v4 =	vshll.u32 v3, $0x3  }
0x22: {  	v3 =	vand.u32 $0x7, v3;
	v4 =	vand.u32 $0xFFFFFFC0, v4  }
0x23: {  	v3 =	vor.u32 v3, v4  }
0x24: {  	v4 =	vperm.xlane v3, v0;
	_ =	sdelay $0x1  }
0x25: {  	v4 =	vadd.s32 v1, v4;
	_ =	sdelay $0x4  }
0x26: {  	[tilespmem:s28], [sflag:$0x1] =	stream.indirect_vreg.gather [hbm4b:s3+s2], $0x80, v4, vm0, $0xb8;
	[tilespmem:$0x10100] =	vst v63  }
0x27: {  	v3 =	vperm.xlane v3, v2  }
0x28: {  	[tilespmem:s24], [sflag:$0x1] =	stream.indirect_vreg.gather [hbm4b:s5+s2], $0x80, v4, vm0, $0xb8;
	[tilespmem:$0x10100] =	vst v63  }
0x29: {  	v3 =	vadd.s32 v1, v3  }
0x2a: {  	[tilespmem:s25], [sflag:$0x1] =	stream.indirect_vreg.gather [hbm4b:s6+s2], $0x80, v4, vm0, $0xb8;
	[tilespmem:$0x10100] =	vst v63  }
0x2b: {  	_ = 	snop  }
0x2c: {  	[tilespmem:s26], [sflag:$0x1] =	stream.indirect_vreg.gather [hbm4b:s7+s2], $0x80, v4, vm0, $0xb8;
	[tilespmem:$0x10100] =	vst v63  }
0x2d: {  	_ = 	snop  }
0x2e: {  	[tilespmem:s29], [sflag:$0x1] =	stream.indirect_vreg.gather [hbm4b:s3+s2], $0x80, v3, vm0, $0xb8;
	[tilespmem:$0x10100] =	vst v63  }
0x2f: {  	_ = 	snop  }
0x30: {  	[tilespmem:s30], [sflag:$0x1] =	stream.indirect_vreg.gather [hbm4b:s5+s2], $0x80, v3, vm0, $0xb8;
	[tilespmem:$0x10100] =	vst v63  }
0x31: {  	_ = 	snop  }
0x32: {  	[tilespmem:s31], [sflag:$0x1] =	stream.indirect_vreg.gather [hbm4b:s6+s2], $0x80, v3, vm0, $0xb8;
	[tilespmem:$0x10100] =	vst v63  }
0x33: {  	s0 =	simm.s32 $0x3900  }
0x34: {  	[tilespmem:s0], [sflag:$0x1] =	stream.indirect_vreg.gather [hbm4b:s7+s2], $0x80, v3, vm0, $0xb8;
	[tilespmem:$0x10100] =	vst v63  }
0x35: {  	v3 =	vld [tilespmem:$0x10];
	_ =	sdelay $0x4  }
0x36: {  	v57 =	vshll.u32 v3, $0x3  }
0x37: {  	v3 =	vand.u32 $0x7, v3;
	v4 =	vand.u32 $0xFFFFFFC0, v57  }
0x38: {  	v3 =	vor.u32 v3, v4  }
0x39: {  	v4 =	vperm.xlane v3, v0;
	_ =	sdelay $0x1  }
0x3a: {  	v4 =	vadd.s32 v1, v4;
	_ =	sdelay $0x3  }
0x3b: {  	s1 =	simm.s32 $0x4100  }
0x3c: {  	[tilespmem:s1], [sflag:$0x1] =	stream.indirect_vreg.gather [hbm4b:s3+s2], $0x80, v4, vm0, $0xb8;
	[tilespmem:$0x10100] =	vst v63  }
0x3d: {  	v3 =	vperm.xlane v3, v2  }
0x3e: {  	[tilespmem:s4], [sflag:$0x1] =	stream.indirect_vreg.gather [hbm4b:s5+s2], $0x80, v4, vm0, $0xb8;
	[tilespmem:$0x10100] =	vst v63  }
0x3f: {  	v3 =	vadd.s32 v1, v3  }
0x40: {  	[tilespmem:s10], [sflag:$0x1] =	stream.indirect_vreg.gather [hbm4b:s6+s2], $0x80, v4, vm0, $0xb8;
	[tilespmem:$0x10100] =	vst v63  }
0x41: {  	_ = 	snop  }
0x42: {  	[tilespmem:s12], [sflag:$0x1] =	stream.indirect_vreg.gather [hbm4b:s7+s2], $0x80, v4, vm0, $0xb8;
	[tilespmem:$0x10100] =	vst v63  }
0x43: {  	_ = 	snop  }
0x44: {  	[tilespmem:s13], [sflag:$0x1] =	stream.indirect_vreg.gather [hbm4b:s3+s2], $0x80, v3, vm0, $0xb8;
	[tilespmem:$0x10100] =	vst v63  }
0x45: {  	_ = 	snop  }
0x46: {  	[tilespmem:s14], [sflag:$0x1] =	stream.indirect_vreg.gather [hbm4b:s5+s2], $0x80, v3, vm0, $0xb8;
	[tilespmem:$0x10100] =	vst v63  }
0x47: {  	_ = 	snop  }
0x48: {  	[tilespmem:s15], [sflag:$0x1] =	stream.indirect_vreg.gather [hbm4b:s6+s2], $0x80, v3, vm0, $0xb8;
	[tilespmem:$0x10100] =	vst v63  }
0x49: {  	_ = 	snop  }
0x4a: {  	[tilespmem:s16], [sflag:$0x1] =	stream.indirect_vreg.gather [hbm4b:s7+s2], $0x80, v3, vm0, $0xb8;
	[tilespmem:$0x10100] =	vst v63  }
0x4b: {  	v3 =	vld [tilespmem:$0x80];
	_ =	sdelay $0x4  }
0x4c: {  	v58 =	vshll.u32 v3, $0x3  }
0x4d: {  	v3 =	vand.u32 $0x7, v3;
	v4 =	vand.u32 $0xFFFFFFC0, v58  }
0x4e: {  	v3 =	vor.u32 v3, v4  }
0x4f: {  	v4 =	vperm.xlane v3, v0;
	_ =	sdelay $0x1  }
0x50: {  	v4 =	vadd.s32 v1, v4;
	_ =	sdelay $0x3  }
0x51: {  	s0 =	simm.s32 $0x8100  }
0x52: {  	[tilespmem:s0], [sflag:$0x2] =	stream.indirect_vreg.gather [hbm4b:s3+s2], $0x80, v4, vm0, $0xb8;
	[tilespmem:$0x10100] =	vst v63  }
0x53: {  	v3 =	vperm.xlane v3, v2  }
0x54: {  	[tilespmem:s17], [sflag:$0x2] =	stream.indirect_vreg.gather [hbm4b:s5+s2], $0x80, v4, vm0, $0xb8;
	[tilespmem:$0x10100] =	vst v63  }
0x55: {  	v3 =	vadd.s32 v1, v3  }
0x56: {  	[tilespmem:s18], [sflag:$0x2] =	stream.indirect_vreg.gather [hbm4b:s6+s2], $0x80, v4, vm0, $0xb8;
	[tilespmem:$0x10100] =	vst v63  }
0x57: {  	_ = 	snop  }
0x58: {  	[tilespmem:s19], [sflag:$0x2] =	stream.indirect_vreg.gather [hbm4b:s7+s2], $0x80, v4, vm0, $0xb8;
	[tilespmem:$0x10100] =	vst v63  }
0x59: {  	_ = 	snop  }
0x5a: {  	[tilespmem:s11], [sflag:$0x2] =	stream.indirect_vreg.gather [hbm4b:s3+s2], $0x80, v3, vm0, $0xb8;
	[tilespmem:$0x10100] =	vst v63  }
0x5b: {  	s22 =	simm.s32 $0xA900  }
0x5c: {  	[tilespmem:s22], [sflag:$0x2] =	stream.indirect_vreg.gather [hbm4b:s5+s2], $0x80, v3, vm0, $0xb8;
	[tilespmem:$0x10100] =	vst v63  }
0x5d: {  	s22 =	simm.s32 $0xB100  }
0x5e: {  	[tilespmem:s22], [sflag:$0x2] =	stream.indirect_vreg.gather [hbm4b:s6+s2], $0x80, v3, vm0, $0xb8;
	[tilespmem:$0x10100] =	vst v63  }
0x5f: {  	s22 =	simm.s32 $0xB900  }
0x60: {  	[tilespmem:s22], [sflag:$0x2] =	stream.indirect_vreg.gather [hbm4b:s7+s2], $0x80, v3, vm0, $0xb8;
	[tilespmem:$0x10100] =	vst v63  }
0x61: {  	v3 =	vld [tilespmem:$0x90];
	_ =	sdelay $0x4  }
0x62: {  	v59 =	vshll.u32 v3, $0x3  }
0x63: {  	v3 =	vand.u32 $0x7, v3;
	v4 =	vand.u32 $0xFFFFFFC0, v59  }
0x64: {  	v3 =	vor.u32 v3, v4  }
0x65: {  	v4 =	vperm.xlane v3, v0;
	_ =	sdelay $0x1  }
0x66: {  	v4 =	vadd.s32 v1, v4;
	_ =	sdelay $0x3  }
0x67: {  	s22 =	simm.s32 $0xC100  }
0x68: {  	[tilespmem:s22], [sflag:$0x2] =	stream.indirect_vreg.gather [hbm4b:s3+s2], $0x80, v4, vm0, $0xb8;
	[tilespmem:$0x10100] =	vst v63  }
0x69: {  	v3 =	vperm.xlane v3, v2;
	s22 =	simm.s32 $0xC900  }
0x6a: {  	[tilespmem:s22], [sflag:$0x2] =	stream.indirect_vreg.gather [hbm4b:s5+s2], $0x80, v4, vm0, $0xb8;
	[tilespmem:$0x10100] =	vst v63  }
0x6b: {  	v3 =	vadd.s32 v1, v3;
	s22 =	simm.s32 $0xD100  }
0x6c: {  	[tilespmem:s22], [sflag:$0x2] =	stream.indirect_vreg.gather [hbm4b:s6+s2], $0x80, v4, vm0, $0xb8;
	[tilespmem:$0x10100] =	vst v63  }
0x6d: {  	s22 =	simm.s32 $0xD900  }
0x6e: {  	[tilespmem:s22], [sflag:$0x2] =	stream.indirect_vreg.gather [hbm4b:s7+s2], $0x80, v4, vm0, $0xb8;
	[tilespmem:$0x10100] =	vst v63  }
0x6f: {  	s22 =	simm.s32 $0xE100  }
0x70: {  	[tilespmem:s22], [sflag:$0x2] =	stream.indirect_vreg.gather [hbm4b:s3+s2], $0x80, v3, vm0, $0xb8;
	[tilespmem:$0x10100] =	vst v63  }
0x71: {  	s22 =	simm.s32 $0xE900  }
0x72: {  	[tilespmem:s22], [sflag:$0x2] =	stream.indirect_vreg.gather [hbm4b:s5+s2], $0x80, v3, vm0, $0xb8;
	[tilespmem:$0x10100] =	vst v63  }
0x73: {  	s22 =	simm.s32 $0xF100  }
0x74: {  	[tilespmem:s22], [sflag:$0x2] =	stream.indirect_vreg.gather [hbm4b:s6+s2], $0x80, v3, vm0, $0xb8;
	[tilespmem:$0x10100] =	vst v63  }
0x75: {  	s22 =	simm.s32 $0xF900  }
0x76: {  	[tilespmem:s22], [sflag:$0x2] =	stream.indirect_vreg.gather [hbm4b:s7+s2], $0x80, v3, vm0, $0xb8;
	[tilespmem:$0x10100] =	vst v63  }
0x77: {  	_ =	swait.ge [sflag:s20], $0x8000  }
0x78: {  	[sflag:s20] =	ssyncset.done $0x0  }
0x79: {  	[sflag:s20] =	ssyncadd.s32 $0xFFFF8000  }
0x7a: {  	_ =	swait.ge [sflag:s21], $0x8000  }
0x7b: {  	[sflag:s21] =	ssyncset.done $0x0  }
0x7c: {  	s22 =	rddreg [dreg:$0x4];
	[sflag:s21] =	ssyncadd.s32 $0xFFFF8000  }
0x7d: {  	[hbm4b:s22+s2] =	stream.linear.scatter [tilespmem:s28], [sflag:$0x3], $0x8000, $0x38;
	[tilespmem:$0x10100] =	vst v63  }
0x7e: {  	_ =	swait.ge [sflag:s9], $0x8000  }
0x7f: {  	[sflag:s9] =	ssyncset.done $0x0  }
0x80: {  	s22 =	rddreg [dreg:$0x5];
	[sflag:s9] =	ssyncadd.s32 $0xFFFF8000  }
0x81: {  	[hbm4b:s22+s2] =	stream.linear.scatter [tilespmem:s0], [sflag:$0x3], $0x8000, $0x38;
	[tilespmem:$0x10100] =	vst v63  }
0x82: {  	_ =	swait.ge [sflag:s9], $0x8000  }
0x83: {  	[sflag:s9] =	ssyncset.done $0x0  }
0x84: {  	s22 =	rddreg [dreg:$0x6];
	[sflag:s9] =	ssyncadd.s32 $0xFFFF8000  }
0x85: {  	[tilespmem:s2], [sflag:$0x3] =	stream.linear.gather [hbm4b:s22+s2], $0x20, $0x38;
	[tilespmem:$0x10100] =	vst v63  }
0x86: {  	_ =	swait.ge [sflag:s9], $0x20  }
0x87: {  	[sflag:s9] =	ssyncset.done $0x0  }
0x88: {  	s22 =	rddreg [dreg:$0x7];
	[sflag:s9] =	ssyncadd.s32 $0xFFFFFFE0  }
0x89: {  	[tilespmem:s23], [sflag:$0x3] =	stream.linear.gather [hbm4b:s22+s2], $0x20, $0x38;
	[tilespmem:$0x10100] =	vst v63  }
0x8a: {  	_ =	swait.ge [sflag:s9], $0x20  }
0x8b: {  	[sflag:s9] =	ssyncset.done $0x0  }
0x8c: {  	[sflag:s9] =	ssyncadd.s32 $0xFFFFFFE0  }
0x8d: {  	v3 =	vld [tilespmem:$0x0];
	_ =	sdelay $0x4  }
0x8e: {  	v60 =	vshll.u32 v3, $0x3  }
0x8f: {  	v3 =	vand.u32 $0x7, v3;
	v4 =	vand.u32 $0xFFFFFFC0, v60  }
0x90: {  	v3 =	vor.u32 v3, v4  }
0x91: {  	v4 =	vperm.xlane v3, v0;
	_ =	sdelay $0x1  }
0x92: {  	v4 =	vadd.s32 v1, v4;
	_ =	sdelay $0x4  }
0x93: {  	[tilespmem:s28], [sflag:$0x1] =	stream.indirect_vreg.gather [hbm4b:s3+s2], $0x80, v4, vm0, $0xb8;
	[tilespmem:$0x10100] =	vst v63  }
0x94: {  	v3 =	vperm.xlane v3, v2  }
0x95: {  	[tilespmem:s24], [sflag:$0x1] =	stream.indirect_vreg.gather [hbm4b:s5+s2], $0x80, v4, vm0, $0xb8;
	[tilespmem:$0x10100] =	vst v63  }
0x96: {  	v3 =	vadd.s32 v1, v3  }
0x97: {  	[tilespmem:s25], [sflag:$0x1] =	stream.indirect_vreg.gather [hbm4b:s6+s2], $0x80, v4, vm0, $0xb8;
	[tilespmem:$0x10100] =	vst v63  }
0x98: {  	_ = 	snop  }
0x99: {  	[tilespmem:s26], [sflag:$0x1] =	stream.indirect_vreg.gather [hbm4b:s7+s2], $0x80, v4, vm0, $0xb8;
	[tilespmem:$0x10100] =	vst v63  }
0x9a: {  	_ = 	snop  }
0x9b: {  	[tilespmem:s29], [sflag:$0x1] =	stream.indirect_vreg.gather [hbm4b:s3+s2], $0x80, v3, vm0, $0xb8;
	[tilespmem:$0x10100] =	vst v63  }
0x9c: {  	_ = 	snop  }
0x9d: {  	[tilespmem:s30], [sflag:$0x1] =	stream.indirect_vreg.gather [hbm4b:s5+s2], $0x80, v3, vm0, $0xb8;
	[tilespmem:$0x10100] =	vst v63  }
0x9e: {  	_ = 	snop  }
0x9f: {  	[tilespmem:s31], [sflag:$0x1] =	stream.indirect_vreg.gather [hbm4b:s6+s2], $0x80, v3, vm0, $0xb8;
	[tilespmem:$0x10100] =	vst v63  }
0xa0: {  	s22 =	simm.s32 $0x3900  }
0xa1: {  	[tilespmem:s22], [sflag:$0x1] =	stream.indirect_vreg.gather [hbm4b:s7+s2], $0x80, v3, vm0, $0xb8;
	[tilespmem:$0x10100] =	vst v63  }
0xa2: {  	v3 =	vld [tilespmem:$0x10];
	_ =	sdelay $0x4  }
0xa3: {  	v61 =	vshll.u32 v3, $0x3  }
0xa4: {  	v3 =	vand.u32 $0x7, v3;
	v4 =	vand.u32 $0xFFFFFFC0, v61  }
0xa5: {  	v3 =	vor.u32 v3, v4  }
0xa6: {  	v4 =	vperm.xlane v3, v0;
	_ =	sdelay $0x1  }
0xa7: {  	v4 =	vadd.s32 v1, v4;
	_ =	sdelay $0x4  }
0xa8: {  	[tilespmem:s1], [sflag:$0x1] =	stream.indirect_vreg.gather [hbm4b:s3+s2], $0x80, v4, vm0, $0xb8;
	[tilespmem:$0x10100] =	vst v63  }
0xa9: {  	v3 =	vperm.xlane v3, v2  }
0xaa: {  	[tilespmem:s4], [sflag:$0x1] =	stream.indirect_vreg.gather [hbm4b:s5+s2], $0x80, v4, vm0, $0xb8;
	[tilespmem:$0x10100] =	vst v63  }
0xab: {  	v3 =	vadd.s32 v1, v3  }
0xac: {  	[tilespmem:s10], [sflag:$0x1] =	stream.indirect_vreg.gather [hbm4b:s6+s2], $0x80, v4, vm0, $0xb8;
	[tilespmem:$0x10100] =	vst v63  }
0xad: {  	_ = 	snop  }
0xae: {  	[tilespmem:s12], [sflag:$0x1] =	stream.indirect_vreg.gather [hbm4b:s7+s2], $0x80, v4, vm0, $0xb8;
	[tilespmem:$0x10100] =	vst v63  }
0xaf: {  	_ = 	snop  }
0xb0: {  	[tilespmem:s13], [sflag:$0x1] =	stream.indirect_vreg.gather [hbm4b:s3+s2], $0x80, v3, vm0, $0xb8;
	[tilespmem:$0x10100] =	vst v63  }
0xb1: {  	_ = 	snop  }
0xb2: {  	[tilespmem:s14], [sflag:$0x1] =	stream.indirect_vreg.gather [hbm4b:s5+s2], $0x80, v3, vm0, $0xb8;
	[tilespmem:$0x10100] =	vst v63  }
0xb3: {  	_ = 	snop  }
0xb4: {  	[tilespmem:s15], [sflag:$0x1] =	stream.indirect_vreg.gather [hbm4b:s6+s2], $0x80, v3, vm0, $0xb8;
	[tilespmem:$0x10100] =	vst v63  }
0xb5: {  	_ = 	snop  }
0xb6: {  	[tilespmem:s16], [sflag:$0x1] =	stream.indirect_vreg.gather [hbm4b:s7+s2], $0x80, v3, vm0, $0xb8;
	[tilespmem:$0x10100] =	vst v63  }
0xb7: {  	v3 =	vld [tilespmem:$0x80];
	_ =	sdelay $0x4  }
0xb8: {  	v62 =	vshll.u32 v3, $0x3  }
0xb9: {  	v3 =	vand.u32 $0x7, v3;
	v4 =	vand.u32 $0xFFFFFFC0, v62  }
0xba: {  	v3 =	vor.u32 v3, v4  }
0xbb: {  	v4 =	vperm.xlane v3, v0;
	_ =	sdelay $0x1  }
0xbc: {  	v4 =	vadd.s32 v1, v4;
	_ =	sdelay $0x4  }
0xbd: {  	[tilespmem:s0], [sflag:$0x2] =	stream.indirect_vreg.gather [hbm4b:s3+s2], $0x80, v4, vm0, $0xb8;
	[tilespmem:$0x10100] =	vst v63  }
0xbe: {  	v3 =	vperm.xlane v3, v2  }
0xbf: {  	[tilespmem:s17], [sflag:$0x2] =	stream.indirect_vreg.gather [hbm4b:s5+s2], $0x80, v4, vm0, $0xb8;
	[tilespmem:$0x10100] =	vst v63  }
0xc0: {  	v3 =	vadd.s32 v1, v3  }
0xc1: {  	[tilespmem:s18], [sflag:$0x2] =	stream.indirect_vreg.gather [hbm4b:s6+s2], $0x80, v4, vm0, $0xb8;
	[tilespmem:$0x10100] =	vst v63  }
0xc2: {  	_ = 	snop  }
0xc3: {  	[tilespmem:s19], [sflag:$0x2] =	stream.indirect_vreg.gather [hbm4b:s7+s2], $0x80, v4, vm0, $0xb8;
	[tilespmem:$0x10100] =	vst v63  }
0xc4: {  	_ = 	snop  }
0xc5: {  	[tilespmem:s11], [sflag:$0x2] =	stream.indirect_vreg.gather [hbm4b:s3+s2], $0x80, v3, vm0, $0xb8;
	[tilespmem:$0x10100] =	vst v63  }
0xc6: {  	s22 =	simm.s32 $0xA900  }
0xc7: {  	[tilespmem:s22], [sflag:$0x2] =	stream.indirect_vreg.gather [hbm4b:s5+s2], $0x80, v3, vm0, $0xb8;
	[tilespmem:$0x10100] =	vst v63  }
0xc8: {  	s22 =	simm.s32 $0xB100  }
0xc9: {  	[tilespmem:s22], [sflag:$0x2] =	stream.indirect_vreg.gather [hbm4b:s6+s2], $0x80, v3, vm0, $0xb8;
	[tilespmem:$0x10100] =	vst v63  }
0xca: {  	s22 =	simm.s32 $0xB900  }
0xcb: {  	[tilespmem:s22], [sflag:$0x2] =	stream.indirect_vreg.gather [hbm4b:s7+s2], $0x80, v3, vm0, $0xb8;
	[tilespmem:$0x10100] =	vst v63  }
0xcc: {  	v3 =	vld [tilespmem:$0x90];
	_ =	sdelay $0x4  }
0xcd: {  	v63 =	vshll.u32 v3, $0x3  }
0xce: {  	v3 =	vand.u32 $0x7, v3;
	v4 =	vand.u32 $0xFFFFFFC0, v63  }
0xcf: {  	v3 =	vor.u32 v3, v4  }
0xd0: {  	v4 =	vperm.xlane v3, v0;
	_ =	sdelay $0x1  }
0xd1: {  	v4 =	vadd.s32 v1, v4;
	_ =	sdelay $0x3  }
0xd2: {  	s22 =	simm.s32 $0xC100  }
0xd3: {  	[tilespmem:s22], [sflag:$0x2] =	stream.indirect_vreg.gather [hbm4b:s3+s2], $0x80, v4, vm0, $0xb8;
	[tilespmem:$0x10100] =	vst v63  }
0xd4: {  	v3 =	vperm.xlane v3, v2;
	s22 =	simm.s32 $0xC900  }
0xd5: {  	[tilespmem:s22], [sflag:$0x2] =	stream.indirect_vreg.gather [hbm4b:s5+s2], $0x80, v4, vm0, $0xb8;
	[tilespmem:$0x10100] =	vst v63  }
0xd6: {  	v3 =	vadd.s32 v1, v3;
	s22 =	simm.s32 $0xD100  }
0xd7: {  	[tilespmem:s22], [sflag:$0x2] =	stream.indirect_vreg.gather [hbm4b:s6+s2], $0x80, v4, vm0, $0xb8;
	[tilespmem:$0x10100] =	vst v63  }
0xd8: {  	s22 =	simm.s32 $0xD900  }
0xd9: {  	[tilespmem:s22], [sflag:$0x2] =	stream.indirect_vreg.gather [hbm4b:s7+s2], $0x80, v4, vm0, $0xb8;
	[tilespmem:$0x10100] =	vst v63  }
0xda: {  	s22 =	simm.s32 $0xE100  }
0xdb: {  	[tilespmem:s22], [sflag:$0x2] =	stream.indirect_vreg.gather [hbm4b:s3+s2], $0x80, v3, vm0, $0xb8;
	[tilespmem:$0x10100] =	vst v63  }
0xdc: {  	s22 =	simm.s32 $0xE900  }
0xdd: {  	[tilespmem:s22], [sflag:$0x2] =	stream.indirect_vreg.gather [hbm4b:s5+s2], $0x80, v3, vm0, $0xb8;
	[tilespmem:$0x10100] =	vst v63  }
0xde: {  	s22 =	simm.s32 $0xF100  }
0xdf: {  	[tilespmem:s22], [sflag:$0x2] =	stream.indirect_vreg.gather [hbm4b:s6+s2], $0x80, v3, vm0, $0xb8;
	[tilespmem:$0x10100] =	vst v63  }
0xe0: {  	s22 =	simm.s32 $0xF900  }
0xe1: {  	[tilespmem:s22], [sflag:$0x2] =	stream.indirect_vreg.gather [hbm4b:s7+s2], $0x80, v3, vm0, $0xb8;
	[tilespmem:$0x10100] =	vst v63  }
0xe2: {  	_ =	swait.ge [sflag:s20], $0x8000  }
0xe3: {  	[sflag:s20] =	ssyncset.done $0x0  }
0xe4: {  	[sflag:s20] =	ssyncadd.s32 $0xFFFF8000  }
0xe5: {  	_ =	swait.ge [sflag:s21], $0x8000  }
0xe6: {  	[sflag:s21] =	ssyncset.done $0x0  }
0xe7: {  	s1 =	rddreg [dreg:$0x8];
	[sflag:s21] =	ssyncadd.s32 $0xFFFF8000  }
0xe8: {  	[hbm4b:s1+s2] =	stream.linear.scatter [tilespmem:s28], [sflag:$0x3], $0x8000, $0x38;
	[tilespmem:$0x10100] =	vst v63  }
0xe9: {  	_ =	swait.ge [sflag:s9], $0x8000  }
0xea: {  	p0 =	sne.s32 s8, $0x1;
	[sflag:s9] =	ssyncset.done $0x0  }
.Ltmp0:
0xeb: {  	s1 =	rddreg [dreg:$0x9];
	[sflag:s9] =	ssyncadd.s32 $0xFFFF8000;
	(pc) =	sbr.rel @p0 .LBB2_1-.Ltmp0, $4  }
0xec: {  	[hbm4b:s1+s2] =	stream.linear.scatter [tilespmem:s0], [sflag:$0x3], $0x8000, $0x38;
	[tilespmem:$0x10100] =	vst v63  }
0xed: {  	_ =	swait.ge [sflag:s9], $0x8000  }
0xee: {  	[sflag:s9] =	ssyncset.done $0x0  }
0xef: {  	s8 =	sadd.s32 $0xFFFFFFFF, s8;
	[sflag:s9] =	ssyncadd.s32 $0xFFFF8000  }
0xf0: {  	_ =	sfence.sel $0x180000  }
0xf1: {  	[bflag:$0x0] =	sbarrier.arrive $0xFFFF  }
0xf2: {  	_ =	strace $0x9000004A  }
0xf3: {  	s0 =	stileid.u32;
	[bflag:$0x2] =	sbarrier.arrive $0xFFFF  }
0xf4: {  	p0 =	sne.s32 s0, $0x0;
	s0 =	rddreg [dreg:$0x2]  }
0xf5: {  	s0 =	sadd.s32 @!p0 $0x100000, s0  }
0xf6: {  	[sflag:s0] =	ssyncadd.tile.s32 @!p0 $0x1;
	_ =	shalt  }
.Lfunc_end2:
_tile_overlayer_lowered:
.L_overlay_start_2:
0xf7: {  	(tag) =	ssettag $0x2  }
0xf8: {  	s0 =	rddreg [dreg:$0x0];
	s2 =	stileid.u32  }
0xf9: {  	s1 =	rddreg [dreg:$0x1];
	p0 =	sne.s32 s2, $0x0  }
0xfa: {  	s3 =	rddreg [dreg:$0x2];
	[bflag:$0x3] =	sbarrier.arrive $0xFFFF;
	s2 =	simm.s32 @!p0 $0x1C03  }
0xfb: {  	[timem:s3], [sflag:s2] =	dma.local @!p0 [hbm:s0], s1  }
0xfc: {  	s0 =	simm.s32 @!p0 $0x3  }
0xfd: {  	_ =	swait.ge @!p0 [sflag:s0], s1  }
0xfe: {  	s1 =	ssub.s32 @!p0 $0x0, s1;
	[sflag:s0] =	ssyncset.done @!p0 $0x0  }
0xff: {  	[sflag:s0] =	ssyncadd.s32 @!p0 s1  }
0x100: {  	[bflag:$0x3] =	sbarrier.arrive $0xFFFF  }
0x101: {  	_ =	shalt  }

// kernel: kernel.7.cloned.1.call-start
scs
__scs_entry_jumppad:
0x0: {  	(pc) =	sbr.rel $0x88, $3  }
0x1: {  	(tag) =	ssettag $0x0;
	lr =	simm.s32 $0x1  }
0x2: {  	[smem:$0x3F99] =	sst lr;
	_ =	strace $0xD0000000  }
0x3: {  	_ = 	snop  }
0x4: {  	_ = 	snop  }
0x5: {  	_ = 	snop  }
0x6: {  	_ = 	snop  }
0x7: {  	_ = 	snop  }
__scs_overlays_trampoline_lowered:
0x8: {  	[smem:$0x3FA8] =	sst s0  }
0x9: {  	[smem:$0x3FA9] =	sst s1  }
0xa: {  	[smem:$0x3FAA] =	sst s2  }
0xb: {  	[smem:$0x3FAB] =	sst s3  }
0xc: {  	[smem:$0x3FAC] =	sst s4  }
0xd: {  	[smem:$0x3FAD] =	sst s5  }
0xe: {  	[smem:$0x3FAE] =	sst s6  }
0xf: {  	[smem:$0x3FAF] =	sst s7  }
0x10: {  	[smem:$0x3FB0] =	sst s8  }
0x11: {  	[smem:$0x3FB1] =	sst s9;
	s0 =	simm.s32 @!p0 $0x0  }
0x12: {  	s1 =	sld [smem:$0x3F97];
	s0 =	simm.s32 @p0 $0x1  }
0x13: {  	[smem:$0x3FB2] =	sst s0;
	s0 =	simm.s32 @!p1 $0x0  }
0x14: {  	s2 =	sld [smem:$0x3F96];
	s0 =	simm.s32 @p1 $0x1  }
0x15: {  	[smem:$0x3FB3] =	sst s0;
	s0 =	simm.s32 @!p2 $0x0  }
0x16: {  	s3 =	sld [smem:$0x3FDB];
	s0 =	simm.s32 @p2 $0x1  }
0x17: {  	s4 =	simm.s32 $0x1BF5;
	[smem:$0x3FB5] =	sst s0  }
0x18: {  	s0 =	sld [smem:$0x3F98];
	_ =	swait.ge [sflag:s4], $0x0  }
0x19: {  	s7 =	sld [smem:$0x3F99]  }
0x1a: {  	s8 =	sadd.s32 $0xFFFFE003, lr  }
0x1b: {  	s9 =	sadd.s32 $0xFFFFFEF7, lr;
	s5 =	simm.s32 $0xFFFFFFFF;
	p2 =	slt.u32 s8, $0xFFFFF086  }
0x1c: {  	p1 =	slt.u32 s9, $0xF7A;
	s5 =	simm.s32 @!p2 $0x0  }
0x1d: {  	s5 =	simm.s32 @p1 $0x1;
	p0 =	seq.s32 s7, s2  }
0x1e: {  	s7 =	smul.u32 @!p0 $0xF7A, s2;
	p2 =	seq.s32 @!p0 s5, $0x0  }
0x1f: {  	s9 =	smul.u32 $0xF7A, s1;
	s8 =	simm.s32 @!p0 $0x1BF5;
	p2 =	por !p2, p0  }
0x20: {  	[sflag:s8] =	ssyncset.s32 @!p0 $0xFFFFF086;
	s6 =	sadd.s32 @!p0 s3, s7;
	s7 =	simm.s32 @!p0 $0x108  }
0x21: {  	s3 =	sadd.s32 s3, s9;
	s6 =	sadd.s32 @!p0 $0x88, s6;
	s7 =	simm.s32 @p2 $0x1082  }
0x22: {  	[simem:s7], [sflag:s8] =	dma.local @!p0 [hbm:s6], $0xF7A  }
0x23: {  	s9 =	sor.u32 $0xD0000000, s2;
	s6 =	simm.s32 $0x108;
	_ =	swait.ge @!p0 [sflag:s8], $0x0  }
0x24: {  	s3 =	sadd.s32 $0x88, s3;
	s6 =	simm.s32 @!p1 $0x1082;
	[sflag:s4] =	ssyncset.s32 $0xFFFFF086  }
0x25: {  	[simem:s6], [sflag:s4] =	dma.local [hbm:s3], $0xF7A  }
0x26: {  	[smem:$0x3F99] =	sst s1;
	(tag) =	ssettag s2;
	_ =	strace s9  }
0x27: {  	s1 =	sld [smem:$0x3FA9]  }
0x28: {  	s2 =	sld [smem:$0x3FAA]  }
0x29: {  	s4 =	sld [smem:$0x3FAC]  }
0x2a: {  	p0 =	seq.s32 s5, $0x0;
	s5 =	sld [smem:$0x3FAD]  }
0x2b: {  	s6 =	sld [smem:$0x3FAE]  }
0x2c: {  	s7 =	sld [smem:$0x3FAF]  }
0x2d: {  	s3 =	simm.s32 $0x108;
	s8 =	sld [smem:$0x3FB0]  }
0x2e: {  	s3 =	simm.s32 @!p0 $0x1082;
	s9 =	sld [smem:$0x3FB1]  }
0x2f: {  	lr =	sadd.s32 s0, s3;
	s0 =	sld [smem:$0x3FA8]  }
0x30: {  	s3 =	sld [smem:$0x3FAB]  }
0x31: {  	[smem:$0x3FB4] =	sst s10  }
0x32: {  	s10 =	sld [smem:$0x3FB2];
	_ =	sdelay $0x3  }
0x33: {  	p0 =	seq.s32 s10, $0x1;
	s10 =	sld [smem:$0x3FB4];
	_ =	sdelay $0x3  }
0x34: {  	[smem:$0x3FB4] =	sst s10  }
0x35: {  	s10 =	sld [smem:$0x3FB3];
	_ =	sdelay $0x3  }
0x36: {  	p1 =	seq.s32 s10, $0x1;
	s10 =	sld [smem:$0x3FB4];
	_ =	sdelay $0x3  }
0x37: {  	[smem:$0x3FB4] =	sst s10  }
0x38: {  	s10 =	sld [smem:$0x3FB5]  }
0x39: {  	_ = 	snop;
	(pc) =	sbr.ind lr, $3  }
0x3a: {  	_ = 	snop  }
0x3b: {  	_ = 	snop  }
0x3c: {  	p2 =	seq.s32 s10, $0x1;
	s10 =	sld [smem:$0x3FB4]  }
0x3d: {  	_ =	shalt  }
0x3e: {  	_ =	shalt  }
0x3f: {  	_ =	shalt  }
0x40: {  	_ =	shalt  }
0x41: {  	_ =	shalt  }
0x42: {  	_ =	shalt  }
0x43: {  	_ =	shalt  }
0x44: {  	_ =	shalt  }
0x45: {  	_ =	shalt  }
0x46: {  	_ =	shalt  }
0x47: {  	_ =	shalt  }
0x48: {  	_ =	shalt  }
0x49: {  	_ =	shalt  }
0x4a: {  	_ =	shalt  }
0x4b: {  	_ =	shalt  }
0x4c: {  	_ =	shalt  }
0x4d: {  	_ =	shalt  }
0x4e: {  	_ =	shalt  }
0x4f: {  	_ =	shalt  }
0x50: {  	_ =	shalt  }
0x51: {  	_ =	shalt  }
0x52: {  	_ =	shalt  }
0x53: {  	_ =	shalt  }
0x54: {  	_ =	shalt  }
0x55: {  	_ =	shalt  }
0x56: {  	_ =	shalt  }
0x57: {  	_ =	shalt  }
0x58: {  	_ =	shalt  }
0x59: {  	_ =	shalt  }
0x5a: {  	_ =	shalt  }
0x5b: {  	_ =	shalt  }
0x5c: {  	_ =	shalt  }
0x5d: {  	_ =	shalt  }
0x5e: {  	_ =	shalt  }
0x5f: {  	_ =	shalt  }
0x60: {  	_ =	shalt  }
0x61: {  	_ =	shalt  }
0x62: {  	_ =	shalt  }
0x63: {  	_ =	shalt  }
0x64: {  	_ =	shalt  }
0x65: {  	_ =	shalt  }
0x66: {  	_ =	shalt  }
0x67: {  	_ =	shalt  }
0x68: {  	_ =	shalt  }
0x69: {  	_ =	shalt  }
0x6a: {  	_ =	shalt  }
0x6b: {  	_ =	shalt  }
0x6c: {  	_ =	shalt  }
0x6d: {  	_ =	shalt  }
0x6e: {  	_ =	shalt  }
0x6f: {  	_ =	shalt  }
0x70: {  	_ =	shalt  }
0x71: {  	_ =	shalt  }
0x72: {  	_ =	shalt  }
0x73: {  	_ =	shalt  }
0x74: {  	_ =	shalt  }
0x75: {  	_ =	shalt  }
0x76: {  	_ =	shalt  }
0x77: {  	_ =	shalt  }
0x78: {  	_ =	shalt  }
0x79: {  	_ =	shalt  }
0x7a: {  	_ =	shalt  }
0x7b: {  	_ =	shalt  }
0x7c: {  	_ =	shalt  }
0x7d: {  	_ =	shalt  }
0x7e: {  	_ =	shalt  }
0x7f: {  	_ =	shalt  }
0x80: {  	_ =	shalt  }
0x81: {  	_ =	shalt  }
0x82: {  	_ =	shalt  }
0x83: {  	_ =	shalt  }
0x84: {  	_ =	shalt  }
0x85: {  	_ =	shalt  }
0x86: {  	_ =	shalt  }
0x87: {  	_ =	shalt  }
.Lfunc_end0:
.L_simem_size_0:
called_computation_lowered:
.L_overlay_start_0:
0x88: {  	s2 =	sld [smem:$0x3FD9]  }
0x89: {  	s3 =	sld [smem:$0x3FFE];
	_ =	sdelay $0x1  }
0x8a: {  	s1 =	srdreg.scid  }
0x8b: {  	s0 =	sand.u32 $0x1, s1  }
0x8c: {  	s17 =	sshll.u32 s0, $0xA;
	s2 =	sadd.s32 s3, s2  }
0x8d: {  	s2 =	sadd.s32 s2, s17  }
0x8e: {  	[smem:$0x3FC0] =	sst s2  }
0x8f: {  	_ = 	snop  }
0x90: {  	s2 =	sld [smem:$0x3FC9];
	(tm) =	ssettm $0x1  }
0x91: {  	s18 =	sld [smem:$0x3FFB];
	_ =	sdelay $0x3  }
0x92: {  	_ =	strace s18  }
0x93: {  	s3 =	sld [smem:$0x3FFC];
	_ =	sdelay $0x3  }
0x94: {  	_ =	strace s3  }
0x95: {  	s3 =	sld [smem:$0x3FFD];
	_ =	sdelay $0x3  }
0x96: {  	_ =	strace s3  }
0x97: {  	_ =	strace $0x8FFFFFFF  }
0x98: {  	s19 =	sld [smem:$0x3FDB];
	_ =	sdelay $0x1  }
0x99: {  	s4 =	simm.s32 $_scs_section_size  }
0x9a: {  	s5 =	simm.s32 $_size__tile_overlayer_lowered;
	s6 =	simm.s32 $_tile_overlayer_lowered  }
0x9b: {  	s22 =	simm.s32 $0x1BFF;
	s21 =	sshll.u32 s6, $0x1;
	s3 =	sadd.s32 s4, s19  }
0x9c: {  	s7 =	simm.s32 $0x0;
	s20 =	sshll.u32 s5, $0x1;
	s5 =	sadd.s32 s21, s3  }
0x9d: {  	[timem:s7], [sflag:s22] =	dma.local [hbm:s5], s20  }
0x9e: {  	_ =	swait.ge [sflag:s22], s20  }
0x9f: {  	s4 =	ssub.s32 $0x0, s20;
	[sflag:s22] =	ssyncset.done $0x0  }
0xa0: {  	[sflag:s22] =	ssyncadd.s32 s4;
	_ =	sdelay $0x1  }
0xa1: {  	s23 =	simm.s32 $0x1B8B  }
0xa2: {  	_ =	swait.ge [sflag:s23], $0x1  }
0xa3: {  	[sflag:s23] =	ssyncset.done $0x0  }
0xa4: {  	s25 =	simm.s32 $0x1B8E;
	s24 =	sld [smem:$0x3FFE];
	[sflag:s23] =	ssyncadd.s32 $0xFFFFFFFF  }
0xa5: {  	s26 =	simm.s32 $execute0_lowered;
	[smem:$0x3FD2] =	sst s25  }
0xa6: {  	s5 =	sshll.u32 s26, $0x1;
	_ =	strace $0x80000046;
	[dreg:$0x1] =	wrdreg $0xFFFFFFFF  }
0xa7: {  	s28 =	simm.s32 $_size_execute0_lowered;
	s3 =	sadd.s32 s3, s5;
	[dreg:$0x0] =	wrdreg $0x0  }
0xa8: {  	s5 =	sshll.u32 s28, $0x1;
	[dreg:$0x2] =	wrdreg s3  }
0xa9: {  	[dreg:$0x3] =	wrdreg s5  }
0xaa: {  	[dreg:$0x4] =	wrdreg $0xC0  }
0xab: {  	_ =	task [dreg:s7], $0x5FFFF  }
0xac: {  	[dreg:$0x1] =	wrdreg $0xFFFFFFFF  }
0xad: {  	[dreg:$0x0] =	wrdreg $0x60  }
0xae: {  	[dreg:$0x2] =	wrdreg s2  }
0xaf: {  	[dreg:$0x3] =	wrdreg s24  }
0xb0: {  	[dreg:$0x4] =	wrdreg $0x9  }
0xb1: {  	_ =	task.clear_ibuf [dreg:s7], $0x5FFFF;
	_ =	strace $0x90000046  }
0xb2: {  	s29 =	simm.s32 $0x9;
	_ =	strace $0x80000048  }
0xb3: {  	_ =	swait.ge [sflag:s29], $0x1  }
0xb4: {  	[sflag:s29] =	ssyncadd.s32 $0xFFFFFFFF  }
0xb5: {  	_ =	strace $0x90000048  }
0xb6: {  	_ =	sfence  }
0xb7: {  	s30 =	sld [smem:$0x0];
	_ =	sdelay $0x2  }
0xb8: {  	s31 =	sshll.u32 s1, $0xD;
	s1 =	sshrl.u32 s1, $0x2  }
0xb9: {  	s3 =	sand.u32 $0x4000, s31;
	s1 =	sadd.s32 s1, s30  }
0xba: {  	s0 =	sor.u32 s3, s0;
	s1 =	sshll.u32 s1, $0x11  }
0xbb: {  	s0 =	sor.u32 s1, s0  }
0xbc: {  	s0 =	sadd.s32 $0x8F2B, s0  }
0xbd: {  	[sflag:s0] =	ssyncadd.remote.s32 $0x1  }
0xbe: {  	_ =	sfence.sel $0xFFFF  }
0xbf: {  	[dreg:$0x0] =	wrdreg $0xFFFFFFFF;
	(pc) =	sbr.abs _section_cstart, $3  }
0xc0: {  	[dreg:$0x1] =	wrdreg $0xFFFFFFFF  }
0xc1: {  	_ =	task.clear_ibuf [dreg:s7], $0x2FFFF;
	_ =	strace $0x9FFFFFFF  }
0xc2: {  	(tm) =	ssettm $0x7FFFFFFF  }
0xc3: {  	_ =	shalt  }
tec
execute0_lowered:
.L_overlay_start_1:
0x0: {  	(tag) =	ssettag $0x1  }
0x1: {  	s0 =	rddreg [dreg:$0x0]  }
0x2: {  	s7 =	rddreg [dreg:$0x1]  }
0x3: {  	s3 =	srdreg.scid;
	s1 =	stileid.u32;
	s2 =	simm.s32 $0x0  }
0x4: {  	s14 =	simm.s32 $0x2;
	s15 =	simm.s32 $0x80;
	s16 =	simm.s32 $0x880  }
0x5: {  	s17 =	simm.s32 $0x1080;
	s18 =	simm.s32 $0x1880;
	s19 =	simm.s32 $0x2080  }
0x6: {  	s20 =	simm.s32 $0x2880;
	s21 =	simm.s32 $0x3080;
	s22 =	simm.s32 $0x3880  }
0x7: {  	s23 =	simm.s32 $0x4080;
	s28 =	simm.s32 $0x6080;
	s29 =	simm.s32 $0x6880  }
0x8: {  	s30 =	simm.s32 $0x7080;
	s4 =	sand.u32 $0x1, s3;
	s24 =	sshll.u32 s1, $0x1  }
0x9: {  	s31 =	simm.s32 $0x7880;
	[smem:$0x7FF] =	sst s2;
	s5 =	sor.u32 s4, s24  }
0xa: {  	_ =	strace $0x80000047;
	s4 =	ssub.s32 $0x2, s4;
	s24 =	simm.s32 $0x4880  }
0xb: {  	s3 =	sshll.u32 s5, $0x4;
	s6 =	sshrl.u32 s4, $0x1;
	s5 =	sshll.u32 s5, $0xE  }
0xc: {  	s11 =	sadd.s32 s3, s7;
	s3 =	sadd.s32 $0x1800, s7;
	s13 =	ssub.s32 s4, s6  }
0xd: {  	s25 =	sand.u32 $0x3C000, s5;
	s5 =	sadd.s32 $0x1900, s7;
	s6 =	sadd.s32 $0x1A00, s7  }
0xe: {  	s7 =	sadd.s32 $0x1B00, s7;
	s8 =	sadd.s32 $0x1600, s11;
	s4 =	sadd.s32 s0, s25  }
0xf: {  	s26 =	sadd.s32 $0x1604, s11;
	s9 =	sadd.s32 $0x1608, s11;
	s11 =	sadd.s32 $0x160C, s11  }
0x10: {  	v2 =	vlaneseq.u32;
	s13 =	smax.u32 s13, $0x1;
	s25 =	simm.s32 $0x5080;
	[dreg:$0x3] =	wrdreg s8  }
0x11: {  	vm0 =	vmmov $0xffff;
	v1 =	vshrl.u32 v2, $0x3;
	s0 =	simm.s32 $0x1;
	[dreg:$0x4] =	wrdreg s26;
	s8 =	sadd.s32 $0x1000, s4  }
0x12: {  	v0 =	vand.u32 $0x7, v2;
	v2 =	vor.u32 $0x8, v2;
	v1 =	vmul.u32 $0x8, v1;
	s10 =	sadd.s32 $0x2000, s4;
	s12 =	sadd.s32 $0x3000, s4;
	s26 =	simm.s32 $0x5880  }
.LBB2_1:
0x13: {  	s1 =	rddreg [dreg:$0x3]  }
0x14: {  	[tilespmem:s2], [sflag:$0x2] =	stream.linear.gather [hbm4b:s1+s2], $0x20, $0x38;
	[tilespmem:$0x8080] =	vst v63  }
0x15: {  	_ =	swait.ge [sflag:s14], $0x20  }
0x16: {  	[sflag:s14] =	ssyncset.done $0x0  }
0x17: {  	[sflag:s14] =	ssyncadd.s32 $0xFFFFFFE0  }
0x18: {  	[tilespmem:s15], [sflag:$0x2] =	stream.linear.gather [hbm4b:s4+s2], $0x8000, $0x38;
	[tilespmem:$0x8080] =	vst v63  }
0x19: {  	_ =	swait.ge [sflag:s14], $0x8000  }
0x1a: {  	[sflag:s14] =	ssyncset.done $0x0  }
0x1b: {  	[sflag:s14] =	ssyncadd.s32 $0xFFFF8000  }
0x1c: {  	v3 =	vld [tilespmem:$0x0];
	_ =	sdelay $0x4  }
0x1d: {  	v4 =	vshll.u32 v3, $0x3  }
0x1e: {  	v3 =	vand.u32 $0x7, v3;
	v4 =	vand.u32 $0xFFFFFFC0, v4  }
0x1f: {  	v3 =	vor.u32 v3, v4  }
0x20: {  	v4 =	vperm.xlane v3, v0;
	_ =	sdelay $0x1  }
0x21: {  	v4 =	vadd.s32 v1, v4;
	_ =	sdelay $0x4  }
0x22: {  	[hbm4b:s3+s2] =	stream.indirect_vreg.scatter [tilespmem:s15], [sflag:$0x1], $0x80, v4, vm0, $0xb8;
	[tilespmem:$0x8080] =	vst v63  }
0x23: {  	v3 =	vperm.xlane v3, v2  }
0x24: {  	[hbm4b:s5+s2] =	stream.indirect_vreg.scatter [tilespmem:s16], [sflag:$0x1], $0x80, v4, vm0, $0xb8;
	[tilespmem:$0x8080] =	vst v63  }
0x25: {  	v3 =	vadd.s32 v1, v3  }
0x26: {  	[hbm4b:s6+s2] =	stream.indirect_vreg.scatter [tilespmem:s17], [sflag:$0x1], $0x80, v4, vm0, $0xb8;
	[tilespmem:$0x8080] =	vst v63  }
0x27: {  	_ = 	snop  }
0x28: {  	[hbm4b:s7+s2] =	stream.indirect_vreg.scatter [tilespmem:s18], [sflag:$0x1], $0x80, v4, vm0, $0xb8;
	[tilespmem:$0x8080] =	vst v63  }
0x29: {  	_ = 	snop  }
0x2a: {  	[hbm4b:s3+s2] =	stream.indirect_vreg.scatter [tilespmem:s19], [sflag:$0x1], $0x80, v3, vm0, $0xb8;
	[tilespmem:$0x8080] =	vst v63  }
0x2b: {  	_ = 	snop  }
0x2c: {  	[hbm4b:s5+s2] =	stream.indirect_vreg.scatter [tilespmem:s20], [sflag:$0x1], $0x80, v3, vm0, $0xb8;
	[tilespmem:$0x8080] =	vst v63  }
0x2d: {  	_ = 	snop  }
0x2e: {  	[hbm4b:s6+s2] =	stream.indirect_vreg.scatter [tilespmem:s21], [sflag:$0x1], $0x80, v3, vm0, $0xb8;
	[tilespmem:$0x8080] =	vst v63  }
0x2f: {  	_ = 	snop  }
0x30: {  	[hbm4b:s7+s2] =	stream.indirect_vreg.scatter [tilespmem:s22], [sflag:$0x1], $0x80, v3, vm0, $0xb8;
	[tilespmem:$0x8080] =	vst v63  }
0x31: {  	v3 =	vld [tilespmem:$0x10];
	_ =	sdelay $0x4  }
0x32: {  	v57 =	vshll.u32 v3, $0x3  }
0x33: {  	v3 =	vand.u32 $0x7, v3;
	v4 =	vand.u32 $0xFFFFFFC0, v57  }
0x34: {  	v3 =	vor.u32 v3, v4  }
0x35: {  	v4 =	vperm.xlane v3, v0;
	_ =	sdelay $0x1  }
0x36: {  	v4 =	vadd.s32 v1, v4;
	_ =	sdelay $0x4  }
0x37: {  	[hbm4b:s3+s2] =	stream.indirect_vreg.scatter [tilespmem:s23], [sflag:$0x1], $0x80, v4, vm0, $0xb8;
	[tilespmem:$0x8080] =	vst v63  }
0x38: {  	v3 =	vperm.xlane v3, v2  }
0x39: {  	[hbm4b:s5+s2] =	stream.indirect_vreg.scatter [tilespmem:s24], [sflag:$0x1], $0x80, v4, vm0, $0xb8;
	[tilespmem:$0x8080] =	vst v63  }
0x3a: {  	v3 =	vadd.s32 v1, v3  }
0x3b: {  	[hbm4b:s6+s2] =	stream.indirect_vreg.scatter [tilespmem:s25], [sflag:$0x1], $0x80, v4, vm0, $0xb8;
	[tilespmem:$0x8080] =	vst v63  }
0x3c: {  	_ = 	snop  }
0x3d: {  	[hbm4b:s7+s2] =	stream.indirect_vreg.scatter [tilespmem:s26], [sflag:$0x1], $0x80, v4, vm0, $0xb8;
	[tilespmem:$0x8080] =	vst v63  }
0x3e: {  	_ = 	snop  }
0x3f: {  	[hbm4b:s3+s2] =	stream.indirect_vreg.scatter [tilespmem:s28], [sflag:$0x1], $0x80, v3, vm0, $0xb8;
	[tilespmem:$0x8080] =	vst v63  }
0x40: {  	_ = 	snop  }
0x41: {  	[hbm4b:s5+s2] =	stream.indirect_vreg.scatter [tilespmem:s29], [sflag:$0x1], $0x80, v3, vm0, $0xb8;
	[tilespmem:$0x8080] =	vst v63  }
0x42: {  	_ = 	snop  }
0x43: {  	[hbm4b:s6+s2] =	stream.indirect_vreg.scatter [tilespmem:s30], [sflag:$0x1], $0x80, v3, vm0, $0xb8;
	[tilespmem:$0x8080] =	vst v63  }
0x44: {  	_ = 	snop  }
0x45: {  	[hbm4b:s7+s2] =	stream.indirect_vreg.scatter [tilespmem:s31], [sflag:$0x1], $0x80, v3, vm0, $0xb8;
	[tilespmem:$0x8080] =	vst v63  }
0x46: {  	_ =	swait.ge [sflag:s0], $0x8000  }
0x47: {  	[sflag:s0] =	ssyncset.done $0x0  }
0x48: {  	s1 =	rddreg [dreg:$0x4];
	[sflag:s0] =	ssyncadd.s32 $0xFFFF8000  }
0x49: {  	[tilespmem:s2], [sflag:$0x2] =	stream.linear.gather [hbm4b:s1+s2], $0x20, $0x38;
	[tilespmem:$0x8080] =	vst v63  }
0x4a: {  	_ =	swait.ge [sflag:s14], $0x20  }
0x4b: {  	[sflag:s14] =	ssyncset.done $0x0  }
0x4c: {  	[sflag:s14] =	ssyncadd.s32 $0xFFFFFFE0  }
0x4d: {  	[tilespmem:s15], [sflag:$0x2] =	stream.linear.gather [hbm4b:s8+s2], $0x8000, $0x38;
	[tilespmem:$0x8080] =	vst v63  }
0x4e: {  	_ =	swait.ge [sflag:s14], $0x8000  }
0x4f: {  	[sflag:s14] =	ssyncset.done $0x0  }
0x50: {  	[sflag:s14] =	ssyncadd.s32 $0xFFFF8000  }
0x51: {  	v3 =	vld [tilespmem:$0x0];
	_ =	sdelay $0x4  }
0x52: {  	v58 =	vshll.u32 v3, $0x3  }
0x53: {  	v3 =	vand.u32 $0x7, v3;
	v4 =	vand.u32 $0xFFFFFFC0, v58  }
0x54: {  	v3 =	vor.u32 v3, v4  }
0x55: {  	v4 =	vperm.xlane v3, v0;
	_ =	sdelay $0x1  }
0x56: {  	v4 =	vadd.s32 v1, v4;
	_ =	sdelay $0x4  }
0x57: {  	[hbm4b:s3+s2] =	stream.indirect_vreg.scatter [tilespmem:s15], [sflag:$0x1], $0x80, v4, vm0, $0xb8;
	[tilespmem:$0x8080] =	vst v63  }
0x58: {  	v3 =	vperm.xlane v3, v2  }
0x59: {  	[hbm4b:s5+s2] =	stream.indirect_vreg.scatter [tilespmem:s16], [sflag:$0x1], $0x80, v4, vm0, $0xb8;
	[tilespmem:$0x8080] =	vst v63  }
0x5a: {  	v3 =	vadd.s32 v1, v3  }
0x5b: {  	[hbm4b:s6+s2] =	stream.indirect_vreg.scatter [tilespmem:s17], [sflag:$0x1], $0x80, v4, vm0, $0xb8;
	[tilespmem:$0x8080] =	vst v63  }
0x5c: {  	_ = 	snop  }
0x5d: {  	[hbm4b:s7+s2] =	stream.indirect_vreg.scatter [tilespmem:s18], [sflag:$0x1], $0x80, v4, vm0, $0xb8;
	[tilespmem:$0x8080] =	vst v63  }
0x5e: {  	_ = 	snop  }
0x5f: {  	[hbm4b:s3+s2] =	stream.indirect_vreg.scatter [tilespmem:s19], [sflag:$0x1], $0x80, v3, vm0, $0xb8;
	[tilespmem:$0x8080] =	vst v63  }
0x60: {  	_ = 	snop  }
0x61: {  	[hbm4b:s5+s2] =	stream.indirect_vreg.scatter [tilespmem:s20], [sflag:$0x1], $0x80, v3, vm0, $0xb8;
	[tilespmem:$0x8080] =	vst v63  }
0x62: {  	_ = 	snop  }
0x63: {  	[hbm4b:s6+s2] =	stream.indirect_vreg.scatter [tilespmem:s21], [sflag:$0x1], $0x80, v3, vm0, $0xb8;
	[tilespmem:$0x8080] =	vst v63  }
0x64: {  	_ = 	snop  }
0x65: {  	[hbm4b:s7+s2] =	stream.indirect_vreg.scatter [tilespmem:s22], [sflag:$0x1], $0x80, v3, vm0, $0xb8;
	[tilespmem:$0x8080] =	vst v63  }
0x66: {  	v3 =	vld [tilespmem:$0x10];
	_ =	sdelay $0x4  }
0x67: {  	v59 =	vshll.u32 v3, $0x3  }
0x68: {  	v3 =	vand.u32 $0x7, v3;
	v4 =	vand.u32 $0xFFFFFFC0, v59  }
0x69: {  	v3 =	vor.u32 v3, v4  }
0x6a: {  	v4 =	vperm.xlane v3, v0;
	_ =	sdelay $0x1  }
0x6b: {  	v4 =	vadd.s32 v1, v4;
	_ =	sdelay $0x4  }
0x6c: {  	[hbm4b:s3+s2] =	stream.indirect_vreg.scatter [tilespmem:s23], [sflag:$0x1], $0x80, v4, vm0, $0xb8;
	[tilespmem:$0x8080] =	vst v63  }
0x6d: {  	v3 =	vperm.xlane v3, v2  }
0x6e: {  	[hbm4b:s5+s2] =	stream.indirect_vreg.scatter [tilespmem:s24], [sflag:$0x1], $0x80, v4, vm0, $0xb8;
	[tilespmem:$0x8080] =	vst v63  }
0x6f: {  	v3 =	vadd.s32 v1, v3  }
0x70: {  	[hbm4b:s6+s2] =	stream.indirect_vreg.scatter [tilespmem:s25], [sflag:$0x1], $0x80, v4, vm0, $0xb8;
	[tilespmem:$0x8080] =	vst v63  }
0x71: {  	_ = 	snop  }
0x72: {  	[hbm4b:s7+s2] =	stream.indirect_vreg.scatter [tilespmem:s26], [sflag:$0x1], $0x80, v4, vm0, $0xb8;
	[tilespmem:$0x8080] =	vst v63  }
0x73: {  	_ = 	snop  }
0x74: {  	[hbm4b:s3+s2] =	stream.indirect_vreg.scatter [tilespmem:s28], [sflag:$0x1], $0x80, v3, vm0, $0xb8;
	[tilespmem:$0x8080] =	vst v63  }
0x75: {  	_ = 	snop  }
0x76: {  	[hbm4b:s5+s2] =	stream.indirect_vreg.scatter [tilespmem:s29], [sflag:$0x1], $0x80, v3, vm0, $0xb8;
	[tilespmem:$0x8080] =	vst v63  }
0x77: {  	_ = 	snop  }
0x78: {  	[hbm4b:s6+s2] =	stream.indirect_vreg.scatter [tilespmem:s30], [sflag:$0x1], $0x80, v3, vm0, $0xb8;
	[tilespmem:$0x8080] =	vst v63  }
0x79: {  	_ = 	snop  }
0x7a: {  	[hbm4b:s7+s2] =	stream.indirect_vreg.scatter [tilespmem:s31], [sflag:$0x1], $0x80, v3, vm0, $0xb8;
	[tilespmem:$0x8080] =	vst v63  }
0x7b: {  	_ =	swait.ge [sflag:s0], $0x8000  }
0x7c: {  	[sflag:s0] =	ssyncset.done $0x0  }
0x7d: {  	[sflag:s0] =	ssyncadd.s32 $0xFFFF8000  }
0x7e: {  	[tilespmem:s2], [sflag:$0x2] =	stream.linear.gather [hbm4b:s9+s2], $0x20, $0x38;
	[tilespmem:$0x8080] =	vst v63  }
0x7f: {  	_ =	swait.ge [sflag:s14], $0x20  }
0x80: {  	[sflag:s14] =	ssyncset.done $0x0  }
0x81: {  	[sflag:s14] =	ssyncadd.s32 $0xFFFFFFE0  }
0x82: {  	[tilespmem:s15], [sflag:$0x2] =	stream.linear.gather [hbm4b:s10+s2], $0x8000, $0x38;
	[tilespmem:$0x8080] =	vst v63  }
0x83: {  	_ =	swait.ge [sflag:s14], $0x8000  }
0x84: {  	[sflag:s14] =	ssyncset.done $0x0  }
0x85: {  	[sflag:s14] =	ssyncadd.s32 $0xFFFF8000  }
0x86: {  	v3 =	vld [tilespmem:$0x0];
	_ =	sdelay $0x4  }
0x87: {  	v60 =	vshll.u32 v3, $0x3  }
0x88: {  	v3 =	vand.u32 $0x7, v3;
	v4 =	vand.u32 $0xFFFFFFC0, v60  }
0x89: {  	v3 =	vor.u32 v3, v4  }
0x8a: {  	v4 =	vperm.xlane v3, v0;
	_ =	sdelay $0x1  }
0x8b: {  	v4 =	vadd.s32 v1, v4;
	_ =	sdelay $0x4  }
0x8c: {  	[hbm4b:s3+s2] =	stream.indirect_vreg.scatter [tilespmem:s15], [sflag:$0x1], $0x80, v4, vm0, $0xb8;
	[tilespmem:$0x8080] =	vst v63  }
0x8d: {  	v3 =	vperm.xlane v3, v2  }
0x8e: {  	[hbm4b:s5+s2] =	stream.indirect_vreg.scatter [tilespmem:s16], [sflag:$0x1], $0x80, v4, vm0, $0xb8;
	[tilespmem:$0x8080] =	vst v63  }
0x8f: {  	v3 =	vadd.s32 v1, v3  }
0x90: {  	[hbm4b:s6+s2] =	stream.indirect_vreg.scatter [tilespmem:s17], [sflag:$0x1], $0x80, v4, vm0, $0xb8;
	[tilespmem:$0x8080] =	vst v63  }
0x91: {  	_ = 	snop  }
0x92: {  	[hbm4b:s7+s2] =	stream.indirect_vreg.scatter [tilespmem:s18], [sflag:$0x1], $0x80, v4, vm0, $0xb8;
	[tilespmem:$0x8080] =	vst v63  }
0x93: {  	_ = 	snop  }
0x94: {  	[hbm4b:s3+s2] =	stream.indirect_vreg.scatter [tilespmem:s19], [sflag:$0x1], $0x80, v3, vm0, $0xb8;
	[tilespmem:$0x8080] =	vst v63  }
0x95: {  	_ = 	snop  }
0x96: {  	[hbm4b:s5+s2] =	stream.indirect_vreg.scatter [tilespmem:s20], [sflag:$0x1], $0x80, v3, vm0, $0xb8;
	[tilespmem:$0x8080] =	vst v63  }
0x97: {  	_ = 	snop  }
0x98: {  	[hbm4b:s6+s2] =	stream.indirect_vreg.scatter [tilespmem:s21], [sflag:$0x1], $0x80, v3, vm0, $0xb8;
	[tilespmem:$0x8080] =	vst v63  }
0x99: {  	_ = 	snop  }
0x9a: {  	[hbm4b:s7+s2] =	stream.indirect_vreg.scatter [tilespmem:s22], [sflag:$0x1], $0x80, v3, vm0, $0xb8;
	[tilespmem:$0x8080] =	vst v63  }
0x9b: {  	v3 =	vld [tilespmem:$0x10];
	_ =	sdelay $0x4  }
0x9c: {  	v61 =	vshll.u32 v3, $0x3  }
0x9d: {  	v3 =	vand.u32 $0x7, v3;
	v4 =	vand.u32 $0xFFFFFFC0, v61  }
0x9e: {  	v3 =	vor.u32 v3, v4  }
0x9f: {  	v4 =	vperm.xlane v3, v0;
	_ =	sdelay $0x1  }
0xa0: {  	v4 =	vadd.s32 v1, v4;
	_ =	sdelay $0x4  }
0xa1: {  	[hbm4b:s3+s2] =	stream.indirect_vreg.scatter [tilespmem:s23], [sflag:$0x1], $0x80, v4, vm0, $0xb8;
	[tilespmem:$0x8080] =	vst v63  }
0xa2: {  	v3 =	vperm.xlane v3, v2  }
0xa3: {  	[hbm4b:s5+s2] =	stream.indirect_vreg.scatter [tilespmem:s24], [sflag:$0x1], $0x80, v4, vm0, $0xb8;
	[tilespmem:$0x8080] =	vst v63  }
0xa4: {  	v3 =	vadd.s32 v1, v3  }
0xa5: {  	[hbm4b:s6+s2] =	stream.indirect_vreg.scatter [tilespmem:s25], [sflag:$0x1], $0x80, v4, vm0, $0xb8;
	[tilespmem:$0x8080] =	vst v63  }
0xa6: {  	_ = 	snop  }
0xa7: {  	[hbm4b:s7+s2] =	stream.indirect_vreg.scatter [tilespmem:s26], [sflag:$0x1], $0x80, v4, vm0, $0xb8;
	[tilespmem:$0x8080] =	vst v63  }
0xa8: {  	_ = 	snop  }
0xa9: {  	[hbm4b:s3+s2] =	stream.indirect_vreg.scatter [tilespmem:s28], [sflag:$0x1], $0x80, v3, vm0, $0xb8;
	[tilespmem:$0x8080] =	vst v63  }
0xaa: {  	_ = 	snop  }
0xab: {  	[hbm4b:s5+s2] =	stream.indirect_vreg.scatter [tilespmem:s29], [sflag:$0x1], $0x80, v3, vm0, $0xb8;
	[tilespmem:$0x8080] =	vst v63  }
0xac: {  	_ = 	snop  }
0xad: {  	[hbm4b:s6+s2] =	stream.indirect_vreg.scatter [tilespmem:s30], [sflag:$0x1], $0x80, v3, vm0, $0xb8;
	[tilespmem:$0x8080] =	vst v63  }
0xae: {  	_ = 	snop  }
0xaf: {  	[hbm4b:s7+s2] =	stream.indirect_vreg.scatter [tilespmem:s31], [sflag:$0x1], $0x80, v3, vm0, $0xb8;
	[tilespmem:$0x8080] =	vst v63  }
0xb0: {  	_ =	swait.ge [sflag:s0], $0x8000  }
0xb1: {  	[sflag:s0] =	ssyncset.done $0x0  }
0xb2: {  	[sflag:s0] =	ssyncadd.s32 $0xFFFF8000  }
0xb3: {  	[tilespmem:s2], [sflag:$0x2] =	stream.linear.gather [hbm4b:s11+s2], $0x20, $0x38;
	[tilespmem:$0x8080] =	vst v63  }
0xb4: {  	_ =	swait.ge [sflag:s14], $0x20  }
0xb5: {  	[sflag:s14] =	ssyncset.done $0x0  }
0xb6: {  	[sflag:s14] =	ssyncadd.s32 $0xFFFFFFE0  }
0xb7: {  	[tilespmem:s15], [sflag:$0x2] =	stream.linear.gather [hbm4b:s12+s2], $0x8000, $0x38;
	[tilespmem:$0x8080] =	vst v63  }
0xb8: {  	_ =	swait.ge [sflag:s14], $0x8000  }
0xb9: {  	[sflag:s14] =	ssyncset.done $0x0  }
0xba: {  	[sflag:s14] =	ssyncadd.s32 $0xFFFF8000  }
0xbb: {  	v3 =	vld [tilespmem:$0x0];
	_ =	sdelay $0x4  }
0xbc: {  	v62 =	vshll.u32 v3, $0x3  }
0xbd: {  	v3 =	vand.u32 $0x7, v3;
	v4 =	vand.u32 $0xFFFFFFC0, v62  }
0xbe: {  	v3 =	vor.u32 v3, v4  }
0xbf: {  	v4 =	vperm.xlane v3, v0;
	_ =	sdelay $0x1  }
0xc0: {  	v4 =	vadd.s32 v1, v4;
	_ =	sdelay $0x4  }
0xc1: {  	[hbm4b:s3+s2] =	stream.indirect_vreg.scatter [tilespmem:s15], [sflag:$0x1], $0x80, v4, vm0, $0xb8;
	[tilespmem:$0x8080] =	vst v63  }
0xc2: {  	v3 =	vperm.xlane v3, v2  }
0xc3: {  	[hbm4b:s5+s2] =	stream.indirect_vreg.scatter [tilespmem:s16], [sflag:$0x1], $0x80, v4, vm0, $0xb8;
	[tilespmem:$0x8080] =	vst v63  }
0xc4: {  	v3 =	vadd.s32 v1, v3  }
0xc5: {  	[hbm4b:s6+s2] =	stream.indirect_vreg.scatter [tilespmem:s17], [sflag:$0x1], $0x80, v4, vm0, $0xb8;
	[tilespmem:$0x8080] =	vst v63  }
0xc6: {  	_ = 	snop  }
0xc7: {  	[hbm4b:s7+s2] =	stream.indirect_vreg.scatter [tilespmem:s18], [sflag:$0x1], $0x80, v4, vm0, $0xb8;
	[tilespmem:$0x8080] =	vst v63  }
0xc8: {  	_ = 	snop  }
0xc9: {  	[hbm4b:s3+s2] =	stream.indirect_vreg.scatter [tilespmem:s19], [sflag:$0x1], $0x80, v3, vm0, $0xb8;
	[tilespmem:$0x8080] =	vst v63  }
0xca: {  	_ = 	snop  }
0xcb: {  	[hbm4b:s5+s2] =	stream.indirect_vreg.scatter [tilespmem:s20], [sflag:$0x1], $0x80, v3, vm0, $0xb8;
	[tilespmem:$0x8080] =	vst v63  }
0xcc: {  	_ = 	snop  }
0xcd: {  	[hbm4b:s6+s2] =	stream.indirect_vreg.scatter [tilespmem:s21], [sflag:$0x1], $0x80, v3, vm0, $0xb8;
	[tilespmem:$0x8080] =	vst v63  }
0xce: {  	_ = 	snop  }
0xcf: {  	[hbm4b:s7+s2] =	stream.indirect_vreg.scatter [tilespmem:s22], [sflag:$0x1], $0x80, v3, vm0, $0xb8;
	[tilespmem:$0x8080] =	vst v63  }
0xd0: {  	v3 =	vld [tilespmem:$0x10];
	_ =	sdelay $0x4  }
0xd1: {  	v63 =	vshll.u32 v3, $0x3  }
0xd2: {  	v3 =	vand.u32 $0x7, v3;
	v4 =	vand.u32 $0xFFFFFFC0, v63  }
0xd3: {  	v3 =	vor.u32 v3, v4  }
0xd4: {  	v4 =	vperm.xlane v3, v0;
	_ =	sdelay $0x1  }
0xd5: {  	v4 =	vadd.s32 v1, v4;
	_ =	sdelay $0x4  }
0xd6: {  	[hbm4b:s3+s2] =	stream.indirect_vreg.scatter [tilespmem:s23], [sflag:$0x1], $0x80, v4, vm0, $0xb8;
	[tilespmem:$0x8080] =	vst v63  }
0xd7: {  	v3 =	vperm.xlane v3, v2  }
0xd8: {  	[hbm4b:s5+s2] =	stream.indirect_vreg.scatter [tilespmem:s24], [sflag:$0x1], $0x80, v4, vm0, $0xb8;
	[tilespmem:$0x8080] =	vst v63  }
0xd9: {  	v3 =	vadd.s32 v1, v3  }
0xda: {  	[hbm4b:s6+s2] =	stream.indirect_vreg.scatter [tilespmem:s25], [sflag:$0x1], $0x80, v4, vm0, $0xb8;
	[tilespmem:$0x8080] =	vst v63  }
0xdb: {  	_ = 	snop  }
0xdc: {  	[hbm4b:s7+s2] =	stream.indirect_vreg.scatter [tilespmem:s26], [sflag:$0x1], $0x80, v4, vm0, $0xb8;
	[tilespmem:$0x8080] =	vst v63  }
0xdd: {  	_ = 	snop  }
0xde: {  	[hbm4b:s3+s2] =	stream.indirect_vreg.scatter [tilespmem:s28], [sflag:$0x1], $0x80, v3, vm0, $0xb8;
	[tilespmem:$0x8080] =	vst v63  }
0xdf: {  	_ = 	snop  }
0xe0: {  	[hbm4b:s5+s2] =	stream.indirect_vreg.scatter [tilespmem:s29], [sflag:$0x1], $0x80, v3, vm0, $0xb8;
	[tilespmem:$0x8080] =	vst v63  }
0xe1: {  	p0 =	sne.s32 s13, $0x1  }
0xe2: {  	[hbm4b:s6+s2] =	stream.indirect_vreg.scatter [tilespmem:s30], [sflag:$0x1], $0x80, v3, vm0, $0xb8;
	[tilespmem:$0x8080] =	vst v63  }
.Ltmp0:
0xe3: {  	_ = 	snop;
	(pc) =	sbr.rel @p0 .LBB2_1-.Ltmp0, $4  }
0xe4: {  	[hbm4b:s7+s2] =	stream.indirect_vreg.scatter [tilespmem:s31], [sflag:$0x1], $0x80, v3, vm0, $0xb8;
	[tilespmem:$0x8080] =	vst v63  }
0xe5: {  	_ =	swait.ge [sflag:s0], $0x8000  }
0xe6: {  	[sflag:s0] =	ssyncset.done $0x0  }
0xe7: {  	s13 =	sadd.s32 $0xFFFFFFFF, s13;
	[sflag:s0] =	ssyncadd.s32 $0xFFFF8000  }
0xe8: {  	_ =	sfence.sel $0x180000  }
0xe9: {  	[bflag:$0x0] =	sbarrier.arrive $0xFFFF  }
0xea: {  	_ =	strace $0x90000047  }
0xeb: {  	s0 =	stileid.u32;
	[bflag:$0x2] =	sbarrier.arrive $0xFFFF  }
0xec: {  	p0 =	sne.s32 s0, $0x0;
	s0 =	rddreg [dreg:$0x2]  }
0xed: {  	s0 =	sadd.s32 @!p0 $0x100000, s0  }
0xee: {  	[sflag:s0] =	ssyncadd.tile.s32 @!p0 $0x1;
	_ =	shalt  }
.Lfunc_end2:
_tile_overlayer_lowered:
.L_overlay_start_2:
0xef: {  	(tag) =	ssettag $0x2  }
0xf0: {  	s0 =	rddreg [dreg:$0x0];
	s2 =	stileid.u32  }
0xf1: {  	s1 =	rddreg [dreg:$0x1];
	p0 =	sne.s32 s2, $0x0  }
0xf2: {  	s3 =	rddreg [dreg:$0x2];
	[bflag:$0x3] =	sbarrier.arrive $0xFFFF;
	s2 =	simm.s32 @!p0 $0x1C02  }
0xf3: {  	[timem:s3], [sflag:s2] =	dma.local @!p0 [hbm:s0], s1  }
0xf4: {  	s0 =	simm.s32 @!p0 $0x2  }
0xf5: {  	_ =	swait.ge @!p0 [sflag:s0], s1  }
0xf6: {  	s1 =	ssub.s32 @!p0 $0x0, s1;
	[sflag:s0] =	ssyncset.done @!p0 $0x0  }
0xf7: {  	[sflag:s0] =	ssyncadd.s32 @!p0 s1  }
0xf8: {  	[bflag:$0x3] =	sbarrier.arrive $0xFFFF  }
0xf9: {  	_ =	shalt  }

</sc_bundles>
